<compile_context>
chip_gen: v7x
topology: tpu7x:2x2x1
jax: 0.10.2.dev20260603
libtpu: 0.0.44.dev20260713+nightly
codegen_flags: <defaults>
</compile_context>

<pallas_src>
import functools

import jax
import jax.numpy as jnp
from jax import lax
from jax.experimental import pallas as pl
from jax.experimental.pallas import tpu as pltpu
from jax.experimental.pallas import tpu_sc as plsc

TIME = 288
WEEK = 7
B, T, N, C = 64, 12, 4096, 3
F = 128

NC, NS, L = 2, 16, 16
NW = NC * NS
B_PER_W = B // NW
FBLK = 8
NCHUNK = N // L


FPAD = F + 1


def _sc_body(x_hbm, day_hbm, week_hbm, out_hbm,
             xbuf, didx, widx, day_v, week_v, obuf):
    wid = lax.axis_index("s") * NC + lax.axis_index("c")
    pltpu.sync_copy(day_hbm, day_v.at[:, pl.ds(0, F)])
    pltpu.sync_copy(week_hbm, week_v.at[:, pl.ds(0, F)])
    iota = lax.iota(jnp.int32, L)

    for b_local in range(B_PER_W):
        b = wid * B_PER_W + b_local
        pltpu.sync_copy(x_hbm.at[b, pl.ds((T - 1) * N * C, N * C)], xbuf)

        @pl.loop(0, NCHUNK)
        def _idx_pass(i):
            g = iota * C + i * (L * C)
            xd = plsc.load_gather(xbuf, [g + 1])
            xw = plsc.load_gather(xbuf, [g + 2])
            d = jnp.clip((xd * TIME).astype(jnp.int32), 0, TIME - 1)
            w = jnp.clip(xw.astype(jnp.int32), 0, WEEK - 1)
            didx[pl.ds(i * L, L)] = d
            widx[pl.ds(i * L, L)] = w

        @pl.loop(0, F // FBLK)
        def _f_block(fb):
            f0 = fb * FBLK

            @pl.loop(0, NCHUNK)
            def _chunk(i):
                d = didx[pl.ds(i * L, L)]
                w = widx[pl.ds(i * L, L)]
                for fl in range(FBLK):
                    f = jnp.full((L,), f0 + fl, jnp.int32)
                    vd = plsc.load_gather(day_v, [d, f])
                    vw = plsc.load_gather(week_v, [w, f])
                    obuf[fl, pl.ds(i * L, L)] = vd + vw

            pltpu.sync_copy(obuf, out_hbm.at[b, pl.ds(f0, FBLK), :])


@jax.jit
def _temporal_embedding(x2d, time_day, time_week):
    run = pl.kernel(
        _sc_body,
        out_type=jax.ShapeDtypeStruct((B, F, N), jnp.float32),
        mesh=plsc.VectorSubcoreMesh(core_axis_name="c", subcore_axis_name="s"),
        scratch_types=[
            pltpu.VMEM((N * C,), jnp.float32),
            pltpu.VMEM((N,), jnp.int32),
            pltpu.VMEM((N,), jnp.int32),
            pltpu.VMEM((TIME, FPAD), jnp.float32),
            pltpu.VMEM((WEEK, FPAD), jnp.float32),
            pltpu.VMEM((FBLK, N), jnp.float32),
        ],
        compiler_params=pltpu.CompilerParams(needs_layout_passes=False),
    )
    return run(x2d, time_day, time_week)


def kernel(x, time_day, time_week):
    x2d = x.reshape(B, T * N * C)
    out = _temporal_embedding(x2d, time_day, time_week)
    return out[..., None]

# --- scband reference (transcript-rebuilt; emitter-appended) ---
"""Pipeline reference for scband-temporal-embedding-45492293599889 (READ-ONLY COPY).

The authoritative reference and input builder live on the scoring server;
editing this copy changes nothing except your own understanding.
"""

import jax, jax.numpy as jnp
import numpy as np

TIME = 288
FEATURES = 128
B, T, N, C = 64, 12, 4096, 3


def _xavier(key, shape):
    fan_in, fan_out = shape[0], shape[1]
    limit = float(np.sqrt(6.0 / (fan_in + fan_out)))
    return jax.random.uniform(key, shape, dtype=jnp.float32, minval=-limit, maxval=limit)


def setup_inputs(seed: int = 0) -> dict:
    key = jax.random.key(seed)
    k1, k2, k3 = jax.random.split(key, 3)
    x = jax.random.uniform(k1, (B, T, N, C), dtype=jnp.float32)
    time_day = _xavier(k2, (TIME, FEATURES))
    time_week = _xavier(k3, (7, FEATURES))
    return {"x": x, "time_day": time_day, "time_week": time_week}


def reference(x, time_day, time_week):
    day_emb = x[..., 1]
    day_idx = jnp.clip((day_emb[:, -1, :] * TIME).astype(jnp.int32), 0, TIME - 1)
    td = jnp.take(time_day, day_idx, axis=0)          # [B, N, F]
    td = jnp.transpose(td, (0, 2, 1))[..., None]       # [B, F, N, 1]
    week_emb = x[..., 2]
    week_idx = jnp.clip(week_emb[:, -1, :].astype(jnp.int32), 0, 6)
    tw = jnp.take(time_week, week_idx, axis=0)         # [B, N, F]
    tw = jnp.transpose(tw, (0, 2, 1))[..., None]       # [B, F, N, 1]
    return td + tw

if __name__ == "__main__":
    import jax
    _d = setup_inputs()
    print(jax.jit(kernel)(*tuple(_d.values())))

</pallas_src>

<mosaic_0001>
#map = affine_map<(d0, d1) -> (0, 0)>
#map1 = affine_map<(d0, d1) -> (0, 0, 0)>
module attributes {stable_mosaic.version = 14 : i64} {
  func.func @_sc_body(%arg0: i32, %arg1: i32, %arg2: memref<64x147456xf32, #tpu.memory_space<hbm>>, %arg3: memref<288x128xf32, #tpu.memory_space<hbm>>, %arg4: memref<7x128xf32, #tpu.memory_space<hbm>>, %arg5: memref<64x128x4096xf32, #tpu.memory_space<hbm>>, %arg6: memref<12288xf32, #tpu.memory_space<vmem>>, %arg7: memref<4096xi32, #tpu.memory_space<vmem>>, %arg8: memref<4096xi32, #tpu.memory_space<vmem>>, %arg9: memref<288x129xf32, #tpu.memory_space<vmem>>, %arg10: memref<7x129xf32, #tpu.memory_space<vmem>>, %arg11: memref<8x4096xf32, #tpu.memory_space<vmem>>) attributes {dimension_semantics = [#tpu.dimension_semantics<core_parallel>, #tpu.dimension_semantics<subcore_parallel>], iteration_bounds = array<i64: 2, 16>, scalar_prefetch = 0 : i64, scratch_operands = 6 : i64, tpu.core_type = #tpu.core_type<sc_vector_subcore>, window_params = [{transform_indices = #map}, {transform_indices = #map}, {transform_indices = #map}, {transform_indices = #map1}]} {
    %mul3A = arith.constant 2 : i32
    %mul3A_0 = arith.muli %arg1, %mul3A : i32
    %add3A = arith.addi %mul3A_0, %arg0 : i32
    "tpu.region"() ({
      %run_scoped3A = tpu.sem_alloc : memref<!tpu.dma_semaphore, #tpu.memory_space<semaphore_mem>>
      %dma_start3A = arith.constant 0 : i32
      %dma_start3A_28 = arith.constant 0 : i32
      %dma_start3A_29 = tpu.memref_slice %arg9[%dma_start3A, %dma_start3A_28] : memref<288x129xf32, #tpu.memory_space<vmem>> -> memref<288x128xf32, #tpu.memory_space<vmem>>
      %dma_start3A_30 = arith.constant 0 : i32
      %dma_start3A_31 = arith.constant 0 : i32
      %dma_start3A_32 = tpu.memref_slice %arg9[%dma_start3A_30, %dma_start3A_31] : memref<288x129xf32, #tpu.memory_space<vmem>> -> memref<288x128xf32, #tpu.memory_space<vmem>>
      tpu.enqueue_dma source(%arg3 : memref<288x128xf32, #tpu.memory_space<hbm>>) target(%dma_start3A_32 : memref<288x128xf32, #tpu.memory_space<vmem>>) target_semaphore(%run_scoped3A : memref<!tpu.dma_semaphore, #tpu.memory_space<semaphore_mem>>)
      %dma_wait3A = arith.constant 0 : i32
      %dma_wait3A_33 = arith.constant 0 : i32
      %dma_wait3A_34 = tpu.memref_slice %arg9[%dma_wait3A, %dma_wait3A_33] : memref<288x129xf32, #tpu.memory_space<vmem>> -> memref<288x128xf32, #tpu.memory_space<vmem>>
      %dma_wait3A_35 = arith.constant 0 : i32
      %dma_wait3A_36 = arith.constant 0 : i32
      %dma_wait3A_37 = tpu.memref_slice %arg9[%dma_wait3A_35, %dma_wait3A_36] : memref<288x129xf32, #tpu.memory_space<vmem>> -> memref<288x128xf32, #tpu.memory_space<vmem>>
      tpu.wait_dma2 semaphore(%run_scoped3A : memref<!tpu.dma_semaphore, #tpu.memory_space<semaphore_mem>>) src(%arg3 : memref<288x128xf32, #tpu.memory_space<hbm>>) dst(%dma_wait3A_37 : memref<288x128xf32, #tpu.memory_space<vmem>>)
      tpu.yield
    }) : () -> ()
    "tpu.region"() ({
      %run_scoped3A = tpu.sem_alloc : memref<!tpu.dma_semaphore, #tpu.memory_space<semaphore_mem>>
      %dma_start3A = arith.constant 0 : i32
      %dma_start3A_28 = arith.constant 0 : i32
      %dma_start3A_29 = tpu.memref_slice %arg10[%dma_start3A, %dma_start3A_28] : memref<7x129xf32, #tpu.memory_space<vmem>> -> memref<7x128xf32, #tpu.memory_space<vmem>>
      %dma_start3A_30 = arith.constant 0 : i32
      %dma_start3A_31 = arith.constant 0 : i32
      %dma_start3A_32 = tpu.memref_slice %arg10[%dma_start3A_30, %dma_start3A_31] : memref<7x129xf32, #tpu.memory_space<vmem>> -> memref<7x128xf32, #tpu.memory_space<vmem>>
      tpu.enqueue_dma source(%arg4 : memref<7x128xf32, #tpu.memory_space<hbm>>) target(%dma_start3A_32 : memref<7x128xf32, #tpu.memory_space<vmem>>) target_semaphore(%run_scoped3A : memref<!tpu.dma_semaphore, #tpu.memory_space<semaphore_mem>>)
      %dma_wait3A = arith.constant 0 : i32
      %dma_wait3A_33 = arith.constant 0 : i32
      %dma_wait3A_34 = tpu.memref_slice %arg10[%dma_wait3A, %dma_wait3A_33] : memref<7x129xf32, #tpu.memory_space<vmem>> -> memref<7x128xf32, #tpu.memory_space<vmem>>
      %dma_wait3A_35 = arith.constant 0 : i32
      %dma_wait3A_36 = arith.constant 0 : i32
      %dma_wait3A_37 = tpu.memref_slice %arg10[%dma_wait3A_35, %dma_wait3A_36] : memref<7x129xf32, #tpu.memory_space<vmem>> -> memref<7x128xf32, #tpu.memory_space<vmem>>
      tpu.wait_dma2 semaphore(%run_scoped3A : memref<!tpu.dma_semaphore, #tpu.memory_space<semaphore_mem>>) src(%arg4 : memref<7x128xf32, #tpu.memory_space<hbm>>) dst(%dma_wait3A_37 : memref<7x128xf32, #tpu.memory_space<vmem>>)
      tpu.yield
    }) : () -> ()
    %iota3A = tpu.iota {dimensions = array<i32: 0>} : vector<16xi32>
    %mul3A_1 = arith.constant 2 : i32
    %mul3A_2 = arith.muli %add3A, %mul3A_1 : i32
    %add3A_3 = arith.constant 0 : i32
    %add3A_4 = arith.addi %mul3A_2, %add3A_3 : i32
    "tpu.region"() ({
      %run_scoped3A = tpu.sem_alloc : memref<!tpu.dma_semaphore, #tpu.memory_space<semaphore_mem>>
      %dma_start3A = arith.constant 135168 : i32
      %dma_start3A_28 = tpu.memref_slice %arg2[%add3A_4, %dma_start3A] : memref<64x147456xf32, #tpu.memory_space<hbm>> -> memref<1x12288xf32, #tpu.memory_space<hbm>>
      %dma_start3A_29 = tpu.memref_squeeze %dma_start3A_28 : memref<1x12288xf32, #tpu.memory_space<hbm>> -> memref<12288xf32, #tpu.memory_space<hbm>>
      %dma_start3A_30 = arith.constant 135168 : i32
      %dma_start3A_31 = tpu.memref_slice %arg2[%add3A_4, %dma_start3A_30] : memref<64x147456xf32, #tpu.memory_space<hbm>> -> memref<1x12288xf32, #tpu.memory_space<hbm>>
      %dma_start3A_32 = tpu.memref_squeeze %dma_start3A_31 : memref<1x12288xf32, #tpu.memory_space<hbm>> -> memref<12288xf32, #tpu.memory_space<hbm>>
      tpu.enqueue_dma source(%dma_start3A_32 : memref<12288xf32, #tpu.memory_space<hbm>>) target(%arg6 : memref<12288xf32, #tpu.memory_space<vmem>>) target_semaphore(%run_scoped3A : memref<!tpu.dma_semaphore, #tpu.memory_space<semaphore_mem>>)
      %dma_wait3A = arith.constant 135168 : i32
      %dma_wait3A_33 = tpu.memref_slice %arg2[%add3A_4, %dma_wait3A] : memref<64x147456xf32, #tpu.memory_space<hbm>> -> memref<1x12288xf32, #tpu.memory_space<hbm>>
      %dma_wait3A_34 = tpu.memref_squeeze %dma_wait3A_33 : memref<1x12288xf32, #tpu.memory_space<hbm>> -> memref<12288xf32, #tpu.memory_space<hbm>>
      %dma_wait3A_35 = arith.constant 135168 : i32
      %dma_wait3A_36 = tpu.memref_slice %arg2[%add3A_4, %dma_wait3A_35] : memref<64x147456xf32, #tpu.memory_space<hbm>> -> memref<1x12288xf32, #tpu.memory_space<hbm>>
      %dma_wait3A_37 = tpu.memref_squeeze %dma_wait3A_36 : memref<1x12288xf32, #tpu.memory_space<hbm>> -> memref<12288xf32, #tpu.memory_space<hbm>>
      tpu.wait_dma2 semaphore(%run_scoped3A : memref<!tpu.dma_semaphore, #tpu.memory_space<semaphore_mem>>) src(%dma_wait3A_37 : memref<12288xf32, #tpu.memory_space<hbm>>) dst(%arg6 : memref<12288xf32, #tpu.memory_space<vmem>>)
      tpu.yield
    }) : () -> ()
    %scan3A = arith.constant 0 : i32
    %scan3A_5 = arith.constant 256 : i32
    %scan3A_6 = arith.addi %scan3A, %scan3A_5 : i32
    %scan3A_7 = arith.constant 1 : i32
    scf.for %scan3A_28 = %scan3A to %scan3A_6 step %scan3A_7  : i32 {
      %mul3A_29 = arith.constant 1 : i32
      %mul3A_30 = arith.muli %scan3A_28, %mul3A_29 : i32
      %add3A_31 = arith.constant 0 : i32
      %add3A_32 = arith.addi %add3A_31, %mul3A_30 : i32
      %mul3A_33 = arith.constant 3 : i32
      %mul3A_34 = vector.broadcast %mul3A_33 : i32 to vector<16xi32>
      %mul3A_35 = arith.muli %iota3A, %mul3A_34 : vector<16xi32>
      %mul3A_36 = arith.constant 48 : i32
      %mul3A_37 = arith.muli %add3A_32, %mul3A_36 : i32
      %add3A_38 = vector.broadcast %mul3A_37 : i32 to vector<16xi32>
      %add3A_39 = arith.addi %mul3A_35, %add3A_38 : vector<16xi32>
      %add3A_40 = arith.constant 1 : i32
      %add3A_41 = vector.broadcast %add3A_40 : i32 to vector<16xi32>
      %add3A_42 = arith.addi %add3A_39, %add3A_41 : vector<16xi32>
      %gather3A = tpu.vector_load_idx %arg6[%add3A_42] : memref<12288xf32, #tpu.memory_space<vmem>>[vector<16xi32>], vector<16xf32>,
      %add3A_43 = arith.constant 2 : i32
      %add3A_44 = vector.broadcast %add3A_43 : i32 to vector<16xi32>
      %add3A_45 = arith.addi %add3A_39, %add3A_44 : vector<16xi32>
      %gather3A_46 = tpu.vector_load_idx %arg6[%add3A_45] : memref<12288xf32, #tpu.memory_space<vmem>>[vector<16xi32>], vector<16xf32>,
      %mul3A_47 = arith.constant 2.880000e+02 : f32
      %mul3A_48 = vector.broadcast %mul3A_47 : f32 to vector<16xf32>
      %mul3A_49 = arith.mulf %gather3A, %mul3A_48 : vector<16xf32>
      %convert_element_type3A = arith.fptosi %mul3A_49 : vector<16xf32> to vector<16xi32>
      %jit3A = arith.constant 0 : i32
      %jit3A_50 = arith.constant 287 : i32
      %max3A = vector.broadcast %jit3A : i32 to vector<16xi32>
      %max3A_51 = arith.maxsi %max3A, %convert_element_type3A : vector<16xi32>
      %min3A = vector.broadcast %jit3A_50 : i32 to vector<16xi32>
      %min3A_52 = arith.minsi %min3A, %max3A_51 : vector<16xi32>
      %convert_element_type3A_53 = arith.fptosi %gather3A_46 : vector<16xf32> to vector<16xi32>
      %jit3A_54 = arith.constant 0 : i32
      %jit3A_55 = arith.constant 6 : i32
      %max3A_56 = vector.broadcast %jit3A_54 : i32 to vector<16xi32>
      %max3A_57 = arith.maxsi %max3A_56, %convert_element_type3A_53 : vector<16xi32>
      %min3A_58 = vector.broadcast %jit3A_55 : i32 to vector<16xi32>
      %min3A_59 = arith.minsi %min3A_58, %max3A_57 : vector<16xi32>
      %mul3A_60 = arith.constant 16 : i32
      %mul3A_61 = arith.muli %add3A_32, %mul3A_60 : i32
      %swap3A = arith.index_cast %mul3A_61 : i32 to index
      %swap3A_62 = tpu.vector_load %arg7[%swap3A] {strides = array<i32>} : memref<4096xi32, #tpu.memory_space<vmem>>, vector<16xi32>,
      tpu.vector_store %arg7[%swap3A], %min3A_52 {strides = array<i32>} : memref<4096xi32, #tpu.memory_space<vmem>>, vector<16xi32>,
      %mul3A_63 = arith.constant 16 : i32
      %mul3A_64 = arith.muli %add3A_32, %mul3A_63 : i32
      %swap3A_65 = arith.index_cast %mul3A_64 : i32 to index
      %swap3A_66 = tpu.vector_load %arg8[%swap3A_65] {strides = array<i32>} : memref<4096xi32, #tpu.memory_space<vmem>>, vector<16xi32>,
      tpu.vector_store %arg8[%swap3A_65], %min3A_59 {strides = array<i32>} : memref<4096xi32, #tpu.memory_space<vmem>>, vector<16xi32>,
    }
    %scan3A_8 = arith.constant 256 : i32
    %scan3A_9 = arith.constant 0 : i32
    %scan3A_10 = arith.constant 16 : i32
    %scan3A_11 = arith.addi %scan3A_9, %scan3A_10 : i32
    %scan3A_12 = arith.constant 1 : i32
    scf.for %scan3A_28 = %scan3A_9 to %scan3A_11 step %scan3A_12  : i32 {
      %mul3A_29 = arith.constant 1 : i32
      %mul3A_30 = arith.muli %scan3A_28, %mul3A_29 : i32
      %add3A_31 = arith.constant 0 : i32
      %add3A_32 = arith.addi %add3A_31, %mul3A_30 : i32
      %mul3A_33 = arith.constant 8 : i32
      %mul3A_34 = arith.muli %add3A_32, %mul3A_33 : i32
      %scan3A_35 = arith.constant 0 : i32
      %scan3A_36 = arith.constant 256 : i32
      %scan3A_37 = arith.addi %scan3A_35, %scan3A_36 : i32
      %scan3A_38 = arith.constant 1 : i32
      scf.for %scan3A_40 = %scan3A_35 to %scan3A_37 step %scan3A_38  : i32 {
        %mul3A_41 = arith.constant 1 : i32
        %mul3A_42 = arith.muli %scan3A_40, %mul3A_41 : i32
        %add3A_43 = arith.constant 0 : i32
        %add3A_44 = arith.addi %add3A_43, %mul3A_42 : i32
        %mul3A_45 = arith.constant 16 : i32
        %mul3A_46 = arith.muli %add3A_44, %mul3A_45 : i32
        %get3A = arith.index_cast %mul3A_46 : i32 to index
        %get3A_47 = tpu.vector_load %arg7[%get3A] {strides = array<i32>} : memref<4096xi32, #tpu.memory_space<vmem>>, vector<16xi32>,
        %mul3A_48 = arith.constant 16 : i32
        %mul3A_49 = arith.muli %add3A_44, %mul3A_48 : i32
        %get3A_50 = arith.index_cast %mul3A_49 : i32 to index
        %get3A_51 = tpu.vector_load %arg8[%get3A_50] {strides = array<i32>} : memref<4096xi32, #tpu.memory_space<vmem>>, vector<16xi32>,
        %add3A_52 = arith.constant 0 : i32
        %add3A_53 = arith.addi %mul3A_34, %add3A_52 : i32
        %broadcast_in_dim3A = vector.broadcast %add3A_53 : i32 to vector<16xi32>
        %gather3A = tpu.vector_load_idx %arg9[%get3A_47, %broadcast_in_dim3A] : memref<288x129xf32, #tpu.memory_space<vmem>>[vector<16xi32>, vector<16xi32>], vector<16xf32>,
        %gather3A_54 = tpu.vector_load_idx %arg10[%get3A_51, %broadcast_in_dim3A] : memref<7x129xf32, #tpu.memory_space<vmem>>[vector<16xi32>, vector<16xi32>], vector<16xf32>,
        %add3A_55 = arith.addf %gather3A, %gather3A_54 : vector<16xf32>
        %mul3A_56 = arith.constant 16 : i32
        %mul3A_57 = arith.muli %add3A_44, %mul3A_56 : i32
        %swap3A = arith.constant 0 : i32
        %swap3A_58 = arith.index_cast %swap3A : i32 to index
        %swap3A_59 = arith.index_cast %mul3A_57 : i32 to index
        %swap3A_60 = tpu.vector_load %arg11[%swap3A_58, %swap3A_59] {strides = array<i32>} : memref<8x4096xf32, #tpu.memory_space<vmem>>, vector<16xf32>,
        tpu.vector_store %arg11[%swap3A_58, %swap3A_59], %add3A_55 {strides = array<i32>} : memref<8x4096xf32, #tpu.memory_space<vmem>>, vector<16xf32>,
        %add3A_61 = arith.constant 1 : i32
        %add3A_62 = arith.addi %mul3A_34, %add3A_61 : i32
        %broadcast_in_dim3A_63 = vector.broadcast %add3A_62 : i32 to vector<16xi32>
        %gather3A_64 = tpu.vector_load_idx %arg9[%get3A_47, %broadcast_in_dim3A_63] : memref<288x129xf32, #tpu.memory_space<vmem>>[vector<16xi32>, vector<16xi32>], vector<16xf32>,
        %gather3A_65 = tpu.vector_load_idx %arg10[%get3A_51, %broadcast_in_dim3A_63] : memref<7x129xf32, #tpu.memory_space<vmem>>[vector<16xi32>, vector<16xi32>], vector<16xf32>,
        %add3A_66 = arith.addf %gather3A_64, %gather3A_65 : vector<16xf32>
        %mul3A_67 = arith.constant 16 : i32
        %mul3A_68 = arith.muli %add3A_44, %mul3A_67 : i32
        %swap3A_69 = arith.constant 1 : i32
        %swap3A_70 = arith.index_cast %swap3A_69 : i32 to index
        %swap3A_71 = arith.index_cast %mul3A_68 : i32 to index
        %swap3A_72 = tpu.vector_load %arg11[%swap3A_70, %swap3A_71] {strides = array<i32>} : memref<8x4096xf32, #tpu.memory_space<vmem>>, vector<16xf32>,
        tpu.vector_store %arg11[%swap3A_70, %swap3A_71], %add3A_66 {strides = array<i32>} : memref<8x4096xf32, #tpu.memory_space<vmem>>, vector<16xf32>,
        %add3A_73 = arith.constant 2 : i32
        %add3A_74 = arith.addi %mul3A_34, %add3A_73 : i32
        %broadcast_in_dim3A_75 = vector.broadcast %add3A_74 : i32 to vector<16xi32>
        %gather3A_76 = tpu.vector_load_idx %arg9[%get3A_47, %broadcast_in_dim3A_75] : memref<288x129xf32, #tpu.memory_space<vmem>>[vector<16xi32>, vector<16xi32>], vector<16xf32>,
        %gather3A_77 = tpu.vector_load_idx %arg10[%get3A_51, %broadcast_in_dim3A_75] : memref<7x129xf32, #tpu.memory_space<vmem>>[vector<16xi32>, vector<16xi32>], vector<16xf32>,
        %add3A_78 = arith.addf %gather3A_76, %gather3A_77 : vector<16xf32>
        %mul3A_79 = arith.constant 16 : i32
        %mul3A_80 = arith.muli %add3A_44, %mul3A_79 : i32
        %swap3A_81 = arith.constant 2 : i32
        %swap3A_82 = arith.index_cast %swap3A_81 : i32 to index
        %swap3A_83 = arith.index_cast %mul3A_80 : i32 to index
        %swap3A_84 = tpu.vector_load %arg11[%swap3A_82, %swap3A_83] {strides = array<i32>} : memref<8x4096xf32, #tpu.memory_space<vmem>>, vector<16xf32>,
        tpu.vector_store %arg11[%swap3A_82, %swap3A_83], %add3A_78 {strides = array<i32>} : memref<8x4096xf32, #tpu.memory_space<vmem>>, vector<16xf32>,
        %add3A_85 = arith.constant 3 : i32
        %add3A_86 = arith.addi %mul3A_34, %add3A_85 : i32
        %broadcast_in_dim3A_87 = vector.broadcast %add3A_86 : i32 to vector<16xi32>
        %gather3A_88 = tpu.vector_load_idx %arg9[%get3A_47, %broadcast_in_dim3A_87] : memref<288x129xf32, #tpu.memory_space<vmem>>[vector<16xi32>, vector<16xi32>], vector<16xf32>,
        %gather3A_89 = tpu.vector_load_idx %arg10[%get3A_51, %broadcast_in_dim3A_87] : memref<7x129xf32, #tpu.memory_space<vmem>>[vector<16xi32>, vector<16xi32>], vector<16xf32>,
        %add3A_90 = arith.addf %gather3A_88, %gather3A_89 : vector<16xf32>
        %mul3A_91 = arith.constant 16 : i32
        %mul3A_92 = arith.muli %add3A_44, %mul3A_91 : i32
        %swap3A_93 = arith.constant 3 : i32
        %swap3A_94 = arith.index_cast %swap3A_93 : i32 to index
        %swap3A_95 = arith.index_cast %mul3A_92 : i32 to index
        %swap3A_96 = tpu.vector_load %arg11[%swap3A_94, %swap3A_95] {strides = array<i32>} : memref<8x4096xf32, #tpu.memory_space<vmem>>, vector<16xf32>,
        tpu.vector_store %arg11[%swap3A_94, %swap3A_95], %add3A_90 {strides = array<i32>} : memref<8x4096xf32, #tpu.memory_space<vmem>>, vector<16xf32>,
        %add3A_97 = arith.constant 4 : i32
        %add3A_98 = arith.addi %mul3A_34, %add3A_97 : i32
        %broadcast_in_dim3A_99 = vector.broadcast %add3A_98 : i32 to vector<16xi32>
        %gather3A_100 = tpu.vector_load_idx %arg9[%get3A_47, %broadcast_in_dim3A_99] : memref<288x129xf32, #tpu.memory_space<vmem>>[vector<16xi32>, vector<16xi32>], vector<16xf32>,
        %gather3A_101 = tpu.vector_load_idx %arg10[%get3A_51, %broadcast_in_dim3A_99] : memref<7x129xf32, #tpu.memory_space<vmem>>[vector<16xi32>, vector<16xi32>], vector<16xf32>,
        %add3A_102 = arith.addf %gather3A_100, %gather3A_101 : vector<16xf32>
        %mul3A_103 = arith.constant 16 : i32
        %mul3A_104 = arith.muli %add3A_44, %mul3A_103 : i32
        %swap3A_105 = arith.constant 4 : i32
        %swap3A_106 = arith.index_cast %swap3A_105 : i32 to index
        %swap3A_107 = arith.index_cast %mul3A_104 : i32 to index
        %swap3A_108 = tpu.vector_load %arg11[%swap3A_106, %swap3A_107] {strides = array<i32>} : memref<8x4096xf32, #tpu.memory_space<vmem>>, vector<16xf32>,
        tpu.vector_store %arg11[%swap3A_106, %swap3A_107], %add3A_102 {strides = array<i32>} : memref<8x4096xf32, #tpu.memory_space<vmem>>, vector<16xf32>,
        %add3A_109 = arith.constant 5 : i32
        %add3A_110 = arith.addi %mul3A_34, %add3A_109 : i32
        %broadcast_in_dim3A_111 = vector.broadcast %add3A_110 : i32 to vector<16xi32>
        %gather3A_112 = tpu.vector_load_idx %arg9[%get3A_47, %broadcast_in_dim3A_111] : memref<288x129xf32, #tpu.memory_space<vmem>>[vector<16xi32>, vector<16xi32>], vector<16xf32>,
        %gather3A_113 = tpu.vector_load_idx %arg10[%get3A_51, %broadcast_in_dim3A_111] : memref<7x129xf32, #tpu.memory_space<vmem>>[vector<16xi32>, vector<16xi32>], vector<16xf32>,
        %add3A_114 = arith.addf %gather3A_112, %gather3A_113 : vector<16xf32>
        %mul3A_115 = arith.constant 16 : i32
        %mul3A_116 = arith.muli %add3A_44, %mul3A_115 : i32
        %swap3A_117 = arith.constant 5 : i32
        %swap3A_118 = arith.index_cast %swap3A_117 : i32 to index
        %swap3A_119 = arith.index_cast %mul3A_116 : i32 to index
        %swap3A_120 = tpu.vector_load %arg11[%swap3A_118, %swap3A_119] {strides = array<i32>} : memref<8x4096xf32, #tpu.memory_space<vmem>>, vector<16xf32>,
        tpu.vector_store %arg11[%swap3A_118, %swap3A_119], %add3A_114 {strides = array<i32>} : memref<8x4096xf32, #tpu.memory_space<vmem>>, vector<16xf32>,
        %add3A_121 = arith.constant 6 : i32
        %add3A_122 = arith.addi %mul3A_34, %add3A_121 : i32
        %broadcast_in_dim3A_123 = vector.broadcast %add3A_122 : i32 to vector<16xi32>
        %gather3A_124 = tpu.vector_load_idx %arg9[%get3A_47, %broadcast_in_dim3A_123] : memref<288x129xf32, #tpu.memory_space<vmem>>[vector<16xi32>, vector<16xi32>], vector<16xf32>,
        %gather3A_125 = tpu.vector_load_idx %arg10[%get3A_51, %broadcast_in_dim3A_123] : memref<7x129xf32, #tpu.memory_space<vmem>>[vector<16xi32>, vector<16xi32>], vector<16xf32>,
        %add3A_126 = arith.addf %gather3A_124, %gather3A_125 : vector<16xf32>
        %mul3A_127 = arith.constant 16 : i32
        %mul3A_128 = arith.muli %add3A_44, %mul3A_127 : i32
        %swap3A_129 = arith.constant 6 : i32
        %swap3A_130 = arith.index_cast %swap3A_129 : i32 to index
        %swap3A_131 = arith.index_cast %mul3A_128 : i32 to index
        %swap3A_132 = tpu.vector_load %arg11[%swap3A_130, %swap3A_131] {strides = array<i32>} : memref<8x4096xf32, #tpu.memory_space<vmem>>, vector<16xf32>,
        tpu.vector_store %arg11[%swap3A_130, %swap3A_131], %add3A_126 {strides = array<i32>} : memref<8x4096xf32, #tpu.memory_space<vmem>>, vector<16xf32>,
        %add3A_133 = arith.constant 7 : i32
        %add3A_134 = arith.addi %mul3A_34, %add3A_133 : i32
        %broadcast_in_dim3A_135 = vector.broadcast %add3A_134 : i32 to vector<16xi32>
        %gather3A_136 = tpu.vector_load_idx %arg9[%get3A_47, %broadcast_in_dim3A_135] : memref<288x129xf32, #tpu.memory_space<vmem>>[vector<16xi32>, vector<16xi32>], vector<16xf32>,
        %gather3A_137 = tpu.vector_load_idx %arg10[%get3A_51, %broadcast_in_dim3A_135] : memref<7x129xf32, #tpu.memory_space<vmem>>[vector<16xi32>, vector<16xi32>], vector<16xf32>,
        %add3A_138 = arith.addf %gather3A_136, %gather3A_137 : vector<16xf32>
        %mul3A_139 = arith.constant 16 : i32
        %mul3A_140 = arith.muli %add3A_44, %mul3A_139 : i32
        %swap3A_141 = arith.constant 7 : i32
        %swap3A_142 = arith.index_cast %swap3A_141 : i32 to index
        %swap3A_143 = arith.index_cast %mul3A_140 : i32 to index
        %swap3A_144 = tpu.vector_load %arg11[%swap3A_142, %swap3A_143] {strides = array<i32>} : memref<8x4096xf32, #tpu.memory_space<vmem>>, vector<16xf32>,
        tpu.vector_store %arg11[%swap3A_142, %swap3A_143], %add3A_138 {strides = array<i32>} : memref<8x4096xf32, #tpu.memory_space<vmem>>, vector<16xf32>,
      }
      %scan3A_39 = arith.constant 256 : i32
      "tpu.region"() ({
        %run_scoped3A = tpu.sem_alloc : memref<!tpu.dma_semaphore, #tpu.memory_space<semaphore_mem>>
        %dma_start3A = arith.constant 0 : i32
        %dma_start3A_40 = tpu.memref_slice %arg5[%add3A_4, %mul3A_34, %dma_start3A] : memref<64x128x4096xf32, #tpu.memory_space<hbm>> -> memref<1x8x4096xf32, #tpu.memory_space<hbm>>
        %dma_start3A_41 = tpu.memref_squeeze %dma_start3A_40 : memref<1x8x4096xf32, #tpu.memory_space<hbm>> -> memref<8x4096xf32, #tpu.memory_space<hbm>>
        %dma_start3A_42 = arith.constant 0 : i32
        %dma_start3A_43 = tpu.memref_slice %arg5[%add3A_4, %mul3A_34, %dma_start3A_42] : memref<64x128x4096xf32, #tpu.memory_space<hbm>> -> memref<1x8x4096xf32, #tpu.memory_space<hbm>>
        %dma_start3A_44 = tpu.memref_squeeze %dma_start3A_43 : memref<1x8x4096xf32, #tpu.memory_space<hbm>> -> memref<8x4096xf32, #tpu.memory_space<hbm>>
        tpu.enqueue_dma source(%arg11 : memref<8x4096xf32, #tpu.memory_space<vmem>>) target(%dma_start3A_44 : memref<8x4096xf32, #tpu.memory_space<hbm>>) target_semaphore(%run_scoped3A : memref<!tpu.dma_semaphore, #tpu.memory_space<semaphore_mem>>)
        %dma_wait3A = arith.constant 0 : i32
        %dma_wait3A_45 = tpu.memref_slice %arg5[%add3A_4, %mul3A_34, %dma_wait3A] : memref<64x128x4096xf32, #tpu.memory_space<hbm>> -> memref<1x8x4096xf32, #tpu.memory_space<hbm>>
        %dma_wait3A_46 = tpu.memref_squeeze %dma_wait3A_45 : memref<1x8x4096xf32, #tpu.memory_space<hbm>> -> memref<8x4096xf32, #tpu.memory_space<hbm>>
        %dma_wait3A_47 = arith.constant 0 : i32
        %dma_wait3A_48 = tpu.memref_slice %arg5[%add3A_4, %mul3A_34, %dma_wait3A_47] : memref<64x128x4096xf32, #tpu.memory_space<hbm>> -> memref<1x8x4096xf32, #tpu.memory_space<hbm>>
        %dma_wait3A_49 = tpu.memref_squeeze %dma_wait3A_48 : memref<1x8x4096xf32, #tpu.memory_space<hbm>> -> memref<8x4096xf32, #tpu.memory_space<hbm>>
        tpu.wait_dma2 semaphore(%run_scoped3A : memref<!tpu.dma_semaphore, #tpu.memory_space<semaphore_mem>>) src(%arg11 : memref<8x4096xf32, #tpu.memory_space<vmem>>) dst(%dma_wait3A_49 : memref<8x4096xf32, #tpu.memory_space<hbm>>)
        tpu.yield
      }) : () -> ()
    }
    %scan3A_13 = arith.constant 16 : i32
    %mul3A_14 = arith.constant 2 : i32
    %mul3A_15 = arith.muli %add3A, %mul3A_14 : i32
    %add3A_16 = arith.constant 1 : i32
    %add3A_17 = arith.addi %mul3A_15, %add3A_16 : i32
    "tpu.region"() ({
      %run_scoped3A = tpu.sem_alloc : memref<!tpu.dma_semaphore, #tpu.memory_space<semaphore_mem>>
      %dma_start3A = arith.constant 135168 : i32
      %dma_start3A_28 = tpu.memref_slice %arg2[%add3A_17, %dma_start3A] : memref<64x147456xf32, #tpu.memory_space<hbm>> -> memref<1x12288xf32, #tpu.memory_space<hbm>>
      %dma_start3A_29 = tpu.memref_squeeze %dma_start3A_28 : memref<1x12288xf32, #tpu.memory_space<hbm>> -> memref<12288xf32, #tpu.memory_space<hbm>>
      %dma_start3A_30 = arith.constant 135168 : i32
      %dma_start3A_31 = tpu.memref_slice %arg2[%add3A_17, %dma_start3A_30] : memref<64x147456xf32, #tpu.memory_space<hbm>> -> memref<1x12288xf32, #tpu.memory_space<hbm>>
      %dma_start3A_32 = tpu.memref_squeeze %dma_start3A_31 : memref<1x12288xf32, #tpu.memory_space<hbm>> -> memref<12288xf32, #tpu.memory_space<hbm>>
      tpu.enqueue_dma source(%dma_start3A_32 : memref<12288xf32, #tpu.memory_space<hbm>>) target(%arg6 : memref<12288xf32, #tpu.memory_space<vmem>>) target_semaphore(%run_scoped3A : memref<!tpu.dma_semaphore, #tpu.memory_space<semaphore_mem>>)
      %dma_wait3A = arith.constant 135168 : i32
      %dma_wait3A_33 = tpu.memref_slice %arg2[%add3A_17, %dma_wait3A] : memref<64x147456xf32, #tpu.memory_space<hbm>> -> memref<1x12288xf32, #tpu.memory_space<hbm>>
      %dma_wait3A_34 = tpu.memref_squeeze %dma_wait3A_33 : memref<1x12288xf32, #tpu.memory_space<hbm>> -> memref<12288xf32, #tpu.memory_space<hbm>>
      %dma_wait3A_35 = arith.constant 135168 : i32
      %dma_wait3A_36 = tpu.memref_slice %arg2[%add3A_17, %dma_wait3A_35] : memref<64x147456xf32, #tpu.memory_space<hbm>> -> memref<1x12288xf32, #tpu.memory_space<hbm>>
      %dma_wait3A_37 = tpu.memref_squeeze %dma_wait3A_36 : memref<1x12288xf32, #tpu.memory_space<hbm>> -> memref<12288xf32, #tpu.memory_space<hbm>>
      tpu.wait_dma2 semaphore(%run_scoped3A : memref<!tpu.dma_semaphore, #tpu.memory_space<semaphore_mem>>) src(%dma_wait3A_37 : memref<12288xf32, #tpu.memory_space<hbm>>) dst(%arg6 : memref<12288xf32, #tpu.memory_space<vmem>>)
      tpu.yield
    }) : () -> ()
    %scan3A_18 = arith.constant 0 : i32
    %scan3A_19 = arith.constant 256 : i32
    %scan3A_20 = arith.addi %scan3A_18, %scan3A_19 : i32
    %scan3A_21 = arith.constant 1 : i32
    scf.for %scan3A_28 = %scan3A_18 to %scan3A_20 step %scan3A_21  : i32 {
      %mul3A_29 = arith.constant 1 : i32
      %mul3A_30 = arith.muli %scan3A_28, %mul3A_29 : i32
      %add3A_31 = arith.constant 0 : i32
      %add3A_32 = arith.addi %add3A_31, %mul3A_30 : i32
      %mul3A_33 = arith.constant 3 : i32
      %mul3A_34 = vector.broadcast %mul3A_33 : i32 to vector<16xi32>
      %mul3A_35 = arith.muli %iota3A, %mul3A_34 : vector<16xi32>
      %mul3A_36 = arith.constant 48 : i32
      %mul3A_37 = arith.muli %add3A_32, %mul3A_36 : i32
      %add3A_38 = vector.broadcast %mul3A_37 : i32 to vector<16xi32>
      %add3A_39 = arith.addi %mul3A_35, %add3A_38 : vector<16xi32>
      %add3A_40 = arith.constant 1 : i32
      %add3A_41 = vector.broadcast %add3A_40 : i32 to vector<16xi32>
      %add3A_42 = arith.addi %add3A_39, %add3A_41 : vector<16xi32>
      %gather3A = tpu.vector_load_idx %arg6[%add3A_42] : memref<12288xf32, #tpu.memory_space<vmem>>[vector<16xi32>], vector<16xf32>,
      %add3A_43 = arith.constant 2 : i32
      %add3A_44 = vector.broadcast %add3A_43 : i32 to vector<16xi32>
      %add3A_45 = arith.addi %add3A_39, %add3A_44 : vector<16xi32>
      %gather3A_46 = tpu.vector_load_idx %arg6[%add3A_45] : memref<12288xf32, #tpu.memory_space<vmem>>[vector<16xi32>], vector<16xf32>,
      %mul3A_47 = arith.constant 2.880000e+02 : f32
      %mul3A_48 = vector.broadcast %mul3A_47 : f32 to vector<16xf32>
      %mul3A_49 = arith.mulf %gather3A, %mul3A_48 : vector<16xf32>
      %convert_element_type3A = arith.fptosi %mul3A_49 : vector<16xf32> to vector<16xi32>
      %jit3A = arith.constant 0 : i32
      %jit3A_50 = arith.constant 287 : i32
      %max3A = vector.broadcast %jit3A : i32 to vector<16xi32>
      %max3A_51 = arith.maxsi %max3A, %convert_element_type3A : vector<16xi32>
      %min3A = vector.broadcast %jit3A_50 : i32 to vector<16xi32>
      %min3A_52 = arith.minsi %min3A, %max3A_51 : vector<16xi32>
      %convert_element_type3A_53 = arith.fptosi %gather3A_46 : vector<16xf32> to vector<16xi32>
      %jit3A_54 = arith.constant 0 : i32
      %jit3A_55 = arith.constant 6 : i32
      %max3A_56 = vector.broadcast %jit3A_54 : i32 to vector<16xi32>
      %max3A_57 = arith.maxsi %max3A_56, %convert_element_type3A_53 : vector<16xi32>
      %min3A_58 = vector.broadcast %jit3A_55 : i32 to vector<16xi32>
      %min3A_59 = arith.minsi %min3A_58, %max3A_57 : vector<16xi32>
      %mul3A_60 = arith.constant 16 : i32
      %mul3A_61 = arith.muli %add3A_32, %mul3A_60 : i32
      %swap3A = arith.index_cast %mul3A_61 : i32 to index
      %swap3A_62 = tpu.vector_load %arg7[%swap3A] {strides = array<i32>} : memref<4096xi32, #tpu.memory_space<vmem>>, vector<16xi32>,
      tpu.vector_store %arg7[%swap3A], %min3A_52 {strides = array<i32>} : memref<4096xi32, #tpu.memory_space<vmem>>, vector<16xi32>,
      %mul3A_63 = arith.constant 16 : i32
      %mul3A_64 = arith.muli %add3A_32, %mul3A_63 : i32
      %swap3A_65 = arith.index_cast %mul3A_64 : i32 to index
      %swap3A_66 = tpu.vector_load %arg8[%swap3A_65] {strides = array<i32>} : memref<4096xi32, #tpu.memory_space<vmem>>, vector<16xi32>,
      tpu.vector_store %arg8[%swap3A_65], %min3A_59 {strides = array<i32>} : memref<4096xi32, #tpu.memory_space<vmem>>, vector<16xi32>,
    }
    %scan3A_22 = arith.constant 256 : i32
    %scan3A_23 = arith.constant 0 : i32
    %scan3A_24 = arith.constant 16 : i32
    %scan3A_25 = arith.addi %scan3A_23, %scan3A_24 : i32
    %scan3A_26 = arith.constant 1 : i32
    scf.for %scan3A_28 = %scan3A_23 to %scan3A_25 step %scan3A_26  : i32 {
      %mul3A_29 = arith.constant 1 : i32
      %mul3A_30 = arith.muli %scan3A_28, %mul3A_29 : i32
      %add3A_31 = arith.constant 0 : i32
      %add3A_32 = arith.addi %add3A_31, %mul3A_30 : i32
      %mul3A_33 = arith.constant 8 : i32
      %mul3A_34 = arith.muli %add3A_32, %mul3A_33 : i32
      %scan3A_35 = arith.constant 0 : i32
      %scan3A_36 = arith.constant 256 : i32
      %scan3A_37 = arith.addi %scan3A_35, %scan3A_36 : i32
      %scan3A_38 = arith.constant 1 : i32
      scf.for %scan3A_40 = %scan3A_35 to %scan3A_37 step %scan3A_38  : i32 {
        %mul3A_41 = arith.constant 1 : i32
        %mul3A_42 = arith.muli %scan3A_40, %mul3A_41 : i32
        %add3A_43 = arith.constant 0 : i32
        %add3A_44 = arith.addi %add3A_43, %mul3A_42 : i32
        %mul3A_45 = arith.constant 16 : i32
        %mul3A_46 = arith.muli %add3A_44, %mul3A_45 : i32
        %get3A = arith.index_cast %mul3A_46 : i32 to index
        %get3A_47 = tpu.vector_load %arg7[%get3A] {strides = array<i32>} : memref<4096xi32, #tpu.memory_space<vmem>>, vector<16xi32>,
        %mul3A_48 = arith.constant 16 : i32
        %mul3A_49 = arith.muli %add3A_44, %mul3A_48 : i32
        %get3A_50 = arith.index_cast %mul3A_49 : i32 to index
        %get3A_51 = tpu.vector_load %arg8[%get3A_50] {strides = array<i32>} : memref<4096xi32, #tpu.memory_space<vmem>>, vector<16xi32>,
        %add3A_52 = arith.constant 0 : i32
        %add3A_53 = arith.addi %mul3A_34, %add3A_52 : i32
        %broadcast_in_dim3A = vector.broadcast %add3A_53 : i32 to vector<16xi32>
        %gather3A = tpu.vector_load_idx %arg9[%get3A_47, %broadcast_in_dim3A] : memref<288x129xf32, #tpu.memory_space<vmem>>[vector<16xi32>, vector<16xi32>], vector<16xf32>,
        %gather3A_54 = tpu.vector_load_idx %arg10[%get3A_51, %broadcast_in_dim3A] : memref<7x129xf32, #tpu.memory_space<vmem>>[vector<16xi32>, vector<16xi32>], vector<16xf32>,
        %add3A_55 = arith.addf %gather3A, %gather3A_54 : vector<16xf32>
        %mul3A_56 = arith.constant 16 : i32
        %mul3A_57 = arith.muli %add3A_44, %mul3A_56 : i32
        %swap3A = arith.constant 0 : i32
        %swap3A_58 = arith.index_cast %swap3A : i32 to index
        %swap3A_59 = arith.index_cast %mul3A_57 : i32 to index
        %swap3A_60 = tpu.vector_load %arg11[%swap3A_58, %swap3A_59] {strides = array<i32>} : memref<8x4096xf32, #tpu.memory_space<vmem>>, vector<16xf32>,
        tpu.vector_store %arg11[%swap3A_58, %swap3A_59], %add3A_55 {strides = array<i32>} : memref<8x4096xf32, #tpu.memory_space<vmem>>, vector<16xf32>,
        %add3A_61 = arith.constant 1 : i32
        %add3A_62 = arith.addi %mul3A_34, %add3A_61 : i32
        %broadcast_in_dim3A_63 = vector.broadcast %add3A_62 : i32 to vector<16xi32>
        %gather3A_64 = tpu.vector_load_idx %arg9[%get3A_47, %broadcast_in_dim3A_63] : memref<288x129xf32, #tpu.memory_space<vmem>>[vector<16xi32>, vector<16xi32>], vector<16xf32>,
        %gather3A_65 = tpu.vector_load_idx %arg10[%get3A_51, %broadcast_in_dim3A_63] : memref<7x129xf32, #tpu.memory_space<vmem>>[vector<16xi32>, vector<16xi32>], vector<16xf32>,
        %add3A_66 = arith.addf %gather3A_64, %gather3A_65 : vector<16xf32>
        %mul3A_67 = arith.constant 16 : i32
        %mul3A_68 = arith.muli %add3A_44, %mul3A_67 : i32
        %swap3A_69 = arith.constant 1 : i32
        %swap3A_70 = arith.index_cast %swap3A_69 : i32 to index
        %swap3A_71 = arith.index_cast %mul3A_68 : i32 to index
        %swap3A_72 = tpu.vector_load %arg11[%swap3A_70, %swap3A_71] {strides = array<i32>} : memref<8x4096xf32, #tpu.memory_space<vmem>>, vector<16xf32>,
        tpu.vector_store %arg11[%swap3A_70, %swap3A_71], %add3A_66 {strides = array<i32>} : memref<8x4096xf32, #tpu.memory_space<vmem>>, vector<16xf32>,
        %add3A_73 = arith.constant 2 : i32
        %add3A_74 = arith.addi %mul3A_34, %add3A_73 : i32
        %broadcast_in_dim3A_75 = vector.broadcast %add3A_74 : i32 to vector<16xi32>
        %gather3A_76 = tpu.vector_load_idx %arg9[%get3A_47, %broadcast_in_dim3A_75] : memref<288x129xf32, #tpu.memory_space<vmem>>[vector<16xi32>, vector<16xi32>], vector<16xf32>,
        %gather3A_77 = tpu.vector_load_idx %arg10[%get3A_51, %broadcast_in_dim3A_75] : memref<7x129xf32, #tpu.memory_space<vmem>>[vector<16xi32>, vector<16xi32>], vector<16xf32>,
        %add3A_78 = arith.addf %gather3A_76, %gather3A_77 : vector<16xf32>
        %mul3A_79 = arith.constant 16 : i32
        %mul3A_80 = arith.muli %add3A_44, %mul3A_79 : i32
        %swap3A_81 = arith.constant 2 : i32
        %swap3A_82 = arith.index_cast %swap3A_81 : i32 to index
        %swap3A_83 = arith.index_cast %mul3A_80 : i32 to index
        %swap3A_84 = tpu.vector_load %arg11[%swap3A_82, %swap3A_83] {strides = array<i32>} : memref<8x4096xf32, #tpu.memory_space<vmem>>, vector<16xf32>,
        tpu.vector_store %arg11[%swap3A_82, %swap3A_83], %add3A_78 {strides = array<i32>} : memref<8x4096xf32, #tpu.memory_space<vmem>>, vector<16xf32>,
        %add3A_85 = arith.constant 3 : i32
        %add3A_86 = arith.addi %mul3A_34, %add3A_85 : i32
        %broadcast_in_dim3A_87 = vector.broadcast %add3A_86 : i32 to vector<16xi32>
        %gather3A_88 = tpu.vector_load_idx %arg9[%get3A_47, %broadcast_in_dim3A_87] : memref<288x129xf32, #tpu.memory_space<vmem>>[vector<16xi32>, vector<16xi32>], vector<16xf32>,
        %gather3A_89 = tpu.vector_load_idx %arg10[%get3A_51, %broadcast_in_dim3A_87] : memref<7x129xf32, #tpu.memory_space<vmem>>[vector<16xi32>, vector<16xi32>], vector<16xf32>,
        %add3A_90 = arith.addf %gather3A_88, %gather3A_89 : vector<16xf32>
        %mul3A_91 = arith.constant 16 : i32
        %mul3A_92 = arith.muli %add3A_44, %mul3A_91 : i32
        %swap3A_93 = arith.constant 3 : i32
        %swap3A_94 = arith.index_cast %swap3A_93 : i32 to index
        %swap3A_95 = arith.index_cast %mul3A_92 : i32 to index
        %swap3A_96 = tpu.vector_load %arg11[%swap3A_94, %swap3A_95] {strides = array<i32>} : memref<8x4096xf32, #tpu.memory_space<vmem>>, vector<16xf32>,
        tpu.vector_store %arg11[%swap3A_94, %swap3A_95], %add3A_90 {strides = array<i32>} : memref<8x4096xf32, #tpu.memory_space<vmem>>, vector<16xf32>,
        %add3A_97 = arith.constant 4 : i32
        %add3A_98 = arith.addi %mul3A_34, %add3A_97 : i32
        %broadcast_in_dim3A_99 = vector.broadcast %add3A_98 : i32 to vector<16xi32>
        %gather3A_100 = tpu.vector_load_idx %arg9[%get3A_47, %broadcast_in_dim3A_99] : memref<288x129xf32, #tpu.memory_space<vmem>>[vector<16xi32>, vector<16xi32>], vector<16xf32>,
        %gather3A_101 = tpu.vector_load_idx %arg10[%get3A_51, %broadcast_in_dim3A_99] : memref<7x129xf32, #tpu.memory_space<vmem>>[vector<16xi32>, vector<16xi32>], vector<16xf32>,
        %add3A_102 = arith.addf %gather3A_100, %gather3A_101 : vector<16xf32>
        %mul3A_103 = arith.constant 16 : i32
        %mul3A_104 = arith.muli %add3A_44, %mul3A_103 : i32
        %swap3A_105 = arith.constant 4 : i32
        %swap3A_106 = arith.index_cast %swap3A_105 : i32 to index
        %swap3A_107 = arith.index_cast %mul3A_104 : i32 to index
        %swap3A_108 = tpu.vector_load %arg11[%swap3A_106, %swap3A_107] {strides = array<i32>} : memref<8x4096xf32, #tpu.memory_space<vmem>>, vector<16xf32>,
        tpu.vector_store %arg11[%swap3A_106, %swap3A_107], %add3A_102 {strides = array<i32>} : memref<8x4096xf32, #tpu.memory_space<vmem>>, vector<16xf32>,
        %add3A_109 = arith.constant 5 : i32
        %add3A_110 = arith.addi %mul3A_34, %add3A_109 : i32
        %broadcast_in_dim3A_111 = vector.broadcast %add3A_110 : i32 to vector<16xi32>
        %gather3A_112 = tpu.vector_load_idx %arg9[%get3A_47, %broadcast_in_dim3A_111] : memref<288x129xf32, #tpu.memory_space<vmem>>[vector<16xi32>, vector<16xi32>], vector<16xf32>,
        %gather3A_113 = tpu.vector_load_idx %arg10[%get3A_51, %broadcast_in_dim3A_111] : memref<7x129xf32, #tpu.memory_space<vmem>>[vector<16xi32>, vector<16xi32>], vector<16xf32>,
        %add3A_114 = arith.addf %gather3A_112, %gather3A_113 : vector<16xf32>
        %mul3A_115 = arith.constant 16 : i32
        %mul3A_116 = arith.muli %add3A_44, %mul3A_115 : i32
        %swap3A_117 = arith.constant 5 : i32
        %swap3A_118 = arith.index_cast %swap3A_117 : i32 to index
        %swap3A_119 = arith.index_cast %mul3A_116 : i32 to index
        %swap3A_120 = tpu.vector_load %arg11[%swap3A_118, %swap3A_119] {strides = array<i32>} : memref<8x4096xf32, #tpu.memory_space<vmem>>, vector<16xf32>,
        tpu.vector_store %arg11[%swap3A_118, %swap3A_119], %add3A_114 {strides = array<i32>} : memref<8x4096xf32, #tpu.memory_space<vmem>>, vector<16xf32>,
        %add3A_121 = arith.constant 6 : i32
        %add3A_122 = arith.addi %mul3A_34, %add3A_121 : i32
        %broadcast_in_dim3A_123 = vector.broadcast %add3A_122 : i32 to vector<16xi32>
        %gather3A_124 = tpu.vector_load_idx %arg9[%get3A_47, %broadcast_in_dim3A_123] : memref<288x129xf32, #tpu.memory_space<vmem>>[vector<16xi32>, vector<16xi32>], vector<16xf32>,
        %gather3A_125 = tpu.vector_load_idx %arg10[%get3A_51, %broadcast_in_dim3A_123] : memref<7x129xf32, #tpu.memory_space<vmem>>[vector<16xi32>, vector<16xi32>], vector<16xf32>,
        %add3A_126 = arith.addf %gather3A_124, %gather3A_125 : vector<16xf32>
        %mul3A_127 = arith.constant 16 : i32
        %mul3A_128 = arith.muli %add3A_44, %mul3A_127 : i32
        %swap3A_129 = arith.constant 6 : i32
        %swap3A_130 = arith.index_cast %swap3A_129 : i32 to index
        %swap3A_131 = arith.index_cast %mul3A_128 : i32 to index
        %swap3A_132 = tpu.vector_load %arg11[%swap3A_130, %swap3A_131] {strides = array<i32>} : memref<8x4096xf32, #tpu.memory_space<vmem>>, vector<16xf32>,
        tpu.vector_store %arg11[%swap3A_130, %swap3A_131], %add3A_126 {strides = array<i32>} : memref<8x4096xf32, #tpu.memory_space<vmem>>, vector<16xf32>,
        %add3A_133 = arith.constant 7 : i32
        %add3A_134 = arith.addi %mul3A_34, %add3A_133 : i32
        %broadcast_in_dim3A_135 = vector.broadcast %add3A_134 : i32 to vector<16xi32>
        %gather3A_136 = tpu.vector_load_idx %arg9[%get3A_47, %broadcast_in_dim3A_135] : memref<288x129xf32, #tpu.memory_space<vmem>>[vector<16xi32>, vector<16xi32>], vector<16xf32>,
        %gather3A_137 = tpu.vector_load_idx %arg10[%get3A_51, %broadcast_in_dim3A_135] : memref<7x129xf32, #tpu.memory_space<vmem>>[vector<16xi32>, vector<16xi32>], vector<16xf32>,
        %add3A_138 = arith.addf %gather3A_136, %gather3A_137 : vector<16xf32>
        %mul3A_139 = arith.constant 16 : i32
        %mul3A_140 = arith.muli %add3A_44, %mul3A_139 : i32
        %swap3A_141 = arith.constant 7 : i32
        %swap3A_142 = arith.index_cast %swap3A_141 : i32 to index
        %swap3A_143 = arith.index_cast %mul3A_140 : i32 to index
        %swap3A_144 = tpu.vector_load %arg11[%swap3A_142, %swap3A_143] {strides = array<i32>} : memref<8x4096xf32, #tpu.memory_space<vmem>>, vector<16xf32>,
        tpu.vector_store %arg11[%swap3A_142, %swap3A_143], %add3A_138 {strides = array<i32>} : memref<8x4096xf32, #tpu.memory_space<vmem>>, vector<16xf32>,
      }
      %scan3A_39 = arith.constant 256 : i32
      "tpu.region"() ({
        %run_scoped3A = tpu.sem_alloc : memref<!tpu.dma_semaphore, #tpu.memory_space<semaphore_mem>>
        %dma_start3A = arith.constant 0 : i32
        %dma_start3A_40 = tpu.memref_slice %arg5[%add3A_17, %mul3A_34, %dma_start3A] : memref<64x128x4096xf32, #tpu.memory_space<hbm>> -> memref<1x8x4096xf32, #tpu.memory_space<hbm>>
        %dma_start3A_41 = tpu.memref_squeeze %dma_start3A_40 : memref<1x8x4096xf32, #tpu.memory_space<hbm>> -> memref<8x4096xf32, #tpu.memory_space<hbm>>
        %dma_start3A_42 = arith.constant 0 : i32
        %dma_start3A_43 = tpu.memref_slice %arg5[%add3A_17, %mul3A_34, %dma_start3A_42] : memref<64x128x4096xf32, #tpu.memory_space<hbm>> -> memref<1x8x4096xf32, #tpu.memory_space<hbm>>
        %dma_start3A_44 = tpu.memref_squeeze %dma_start3A_43 : memref<1x8x4096xf32, #tpu.memory_space<hbm>> -> memref<8x4096xf32, #tpu.memory_space<hbm>>
        tpu.enqueue_dma source(%arg11 : memref<8x4096xf32, #tpu.memory_space<vmem>>) target(%dma_start3A_44 : memref<8x4096xf32, #tpu.memory_space<hbm>>) target_semaphore(%run_scoped3A : memref<!tpu.dma_semaphore, #tpu.memory_space<semaphore_mem>>)
        %dma_wait3A = arith.constant 0 : i32
        %dma_wait3A_45 = tpu.memref_slice %arg5[%add3A_17, %mul3A_34, %dma_wait3A] : memref<64x128x4096xf32, #tpu.memory_space<hbm>> -> memref<1x8x4096xf32, #tpu.memory_space<hbm>>
        %dma_wait3A_46 = tpu.memref_squeeze %dma_wait3A_45 : memref<1x8x4096xf32, #tpu.memory_space<hbm>> -> memref<8x4096xf32, #tpu.memory_space<hbm>>
        %dma_wait3A_47 = arith.constant 0 : i32
        %dma_wait3A_48 = tpu.memref_slice %arg5[%add3A_17, %mul3A_34, %dma_wait3A_47] : memref<64x128x4096xf32, #tpu.memory_space<hbm>> -> memref<1x8x4096xf32, #tpu.memory_space<hbm>>
        %dma_wait3A_49 = tpu.memref_squeeze %dma_wait3A_48 : memref<1x8x4096xf32, #tpu.memory_space<hbm>> -> memref<8x4096xf32, #tpu.memory_space<hbm>>
        tpu.wait_dma2 semaphore(%run_scoped3A : memref<!tpu.dma_semaphore, #tpu.memory_space<semaphore_mem>>) src(%arg11 : memref<8x4096xf32, #tpu.memory_space<vmem>>) dst(%dma_wait3A_49 : memref<8x4096xf32, #tpu.memory_space<hbm>>)
        tpu.yield
      }) : () -> ()
    }
    %scan3A_27 = arith.constant 16 : i32
    return
  }
}

</mosaic_0001>

<sc_bundles>
// kernel: _temporal_embedding.3.cloned.1.call-start
scs
__scs_entry_jumppad:
0x0: {  	(pc) =	sbr.rel $0x88, $3  }
0x1: {  	(tag) =	ssettag $0x0;
	lr =	simm.s32 $0x1  }
0x2: {  	[smem:$0x3F9E] =	sst lr;
	_ =	strace $0xD0000000  }
0x3: {  	_ = 	snop  }
0x4: {  	_ = 	snop  }
0x5: {  	_ = 	snop  }
0x6: {  	_ = 	snop  }
0x7: {  	_ = 	snop  }
__scs_overlays_trampoline_lowered:
0x8: {  	[smem:$0x3FAD] =	sst s0  }
0x9: {  	[smem:$0x3FAE] =	sst s1  }
0xa: {  	[smem:$0x3FAF] =	sst s2  }
0xb: {  	[smem:$0x3FB0] =	sst s3  }
0xc: {  	[smem:$0x3FB1] =	sst s4  }
0xd: {  	[smem:$0x3FB2] =	sst s5  }
0xe: {  	[smem:$0x3FB3] =	sst s6  }
0xf: {  	[smem:$0x3FB4] =	sst s7  }
0x10: {  	[smem:$0x3FB5] =	sst s8  }
0x11: {  	[smem:$0x3FB6] =	sst s9;
	s0 =	simm.s32 @!p0 $0x0  }
0x12: {  	s1 =	sld [smem:$0x3F9C];
	s0 =	simm.s32 @p0 $0x1  }
0x13: {  	[smem:$0x3FB7] =	sst s0;
	s0 =	simm.s32 @!p1 $0x0  }
0x14: {  	s2 =	sld [smem:$0x3F9B];
	s0 =	simm.s32 @p1 $0x1  }
0x15: {  	[smem:$0x3FB8] =	sst s0;
	s0 =	simm.s32 @!p2 $0x0  }
0x16: {  	s3 =	sld [smem:$0x3FDB];
	s0 =	simm.s32 @p2 $0x1  }
0x17: {  	s4 =	simm.s32 $0x1BF5;
	[smem:$0x3FBA] =	sst s0  }
0x18: {  	s0 =	sld [smem:$0x3F9D];
	_ =	swait.ge [sflag:s4], $0x0  }
0x19: {  	s7 =	sld [smem:$0x3F9E]  }
0x1a: {  	s8 =	sadd.s32 $0xFFFFE003, lr  }
0x1b: {  	s9 =	sadd.s32 $0xFFFFFEF7, lr;
	s5 =	simm.s32 $0xFFFFFFFF;
	p2 =	slt.u32 s8, $0xFFFFF086  }
0x1c: {  	p1 =	slt.u32 s9, $0xF7A;
	s5 =	simm.s32 @!p2 $0x0  }
0x1d: {  	s5 =	simm.s32 @p1 $0x1;
	p0 =	seq.s32 s7, s2  }
0x1e: {  	s7 =	smul.u32 @!p0 $0xF7A, s2;
	p2 =	seq.s32 @!p0 s5, $0x0  }
0x1f: {  	s9 =	smul.u32 $0xF7A, s1;
	s8 =	simm.s32 @!p0 $0x1BF5;
	p2 =	por !p2, p0  }
0x20: {  	[sflag:s8] =	ssyncset.s32 @!p0 $0xFFFFF086;
	s6 =	sadd.s32 @!p0 s3, s7;
	s7 =	simm.s32 @!p0 $0x108  }
0x21: {  	s3 =	sadd.s32 s3, s9;
	s6 =	sadd.s32 @!p0 $0x88, s6;
	s7 =	simm.s32 @p2 $0x1082  }
0x22: {  	[simem:s7], [sflag:s8] =	dma.local @!p0 [hbm:s6], $0xF7A  }
0x23: {  	s9 =	sor.u32 $0xD0000000, s2;
	s6 =	simm.s32 $0x108;
	_ =	swait.ge @!p0 [sflag:s8], $0x0  }
0x24: {  	s3 =	sadd.s32 $0x88, s3;
	s6 =	simm.s32 @!p1 $0x1082;
	[sflag:s4] =	ssyncset.s32 $0xFFFFF086  }
0x25: {  	[simem:s6], [sflag:s4] =	dma.local [hbm:s3], $0xF7A  }
0x26: {  	[smem:$0x3F9E] =	sst s1;
	(tag) =	ssettag s2;
	_ =	strace s9  }
0x27: {  	s1 =	sld [smem:$0x3FAE]  }
0x28: {  	s2 =	sld [smem:$0x3FAF]  }
0x29: {  	s4 =	sld [smem:$0x3FB1]  }
0x2a: {  	p0 =	seq.s32 s5, $0x0;
	s5 =	sld [smem:$0x3FB2]  }
0x2b: {  	s6 =	sld [smem:$0x3FB3]  }
0x2c: {  	s7 =	sld [smem:$0x3FB4]  }
0x2d: {  	s3 =	simm.s32 $0x108;
	s8 =	sld [smem:$0x3FB5]  }
0x2e: {  	s3 =	simm.s32 @!p0 $0x1082;
	s9 =	sld [smem:$0x3FB6]  }
0x2f: {  	lr =	sadd.s32 s0, s3;
	s0 =	sld [smem:$0x3FAD]  }
0x30: {  	s3 =	sld [smem:$0x3FB0]  }
0x31: {  	[smem:$0x3FB9] =	sst s10  }
0x32: {  	s10 =	sld [smem:$0x3FB7];
	_ =	sdelay $0x3  }
0x33: {  	p0 =	seq.s32 s10, $0x1;
	s10 =	sld [smem:$0x3FB9];
	_ =	sdelay $0x3  }
0x34: {  	[smem:$0x3FB9] =	sst s10  }
0x35: {  	s10 =	sld [smem:$0x3FB8];
	_ =	sdelay $0x3  }
0x36: {  	p1 =	seq.s32 s10, $0x1;
	s10 =	sld [smem:$0x3FB9];
	_ =	sdelay $0x3  }
0x37: {  	[smem:$0x3FB9] =	sst s10  }
0x38: {  	s10 =	sld [smem:$0x3FBA]  }
0x39: {  	_ = 	snop;
	(pc) =	sbr.ind lr, $3  }
0x3a: {  	_ = 	snop  }
0x3b: {  	_ = 	snop  }
0x3c: {  	p2 =	seq.s32 s10, $0x1;
	s10 =	sld [smem:$0x3FB9]  }
0x3d: {  	_ =	shalt  }
0x3e: {  	_ =	shalt  }
0x3f: {  	_ =	shalt  }
0x40: {  	_ =	shalt  }
0x41: {  	_ =	shalt  }
0x42: {  	_ =	shalt  }
0x43: {  	_ =	shalt  }
0x44: {  	_ =	shalt  }
0x45: {  	_ =	shalt  }
0x46: {  	_ =	shalt  }
0x47: {  	_ =	shalt  }
0x48: {  	_ =	shalt  }
0x49: {  	_ =	shalt  }
0x4a: {  	_ =	shalt  }
0x4b: {  	_ =	shalt  }
0x4c: {  	_ =	shalt  }
0x4d: {  	_ =	shalt  }
0x4e: {  	_ =	shalt  }
0x4f: {  	_ =	shalt  }
0x50: {  	_ =	shalt  }
0x51: {  	_ =	shalt  }
0x52: {  	_ =	shalt  }
0x53: {  	_ =	shalt  }
0x54: {  	_ =	shalt  }
0x55: {  	_ =	shalt  }
0x56: {  	_ =	shalt  }
0x57: {  	_ =	shalt  }
0x58: {  	_ =	shalt  }
0x59: {  	_ =	shalt  }
0x5a: {  	_ =	shalt  }
0x5b: {  	_ =	shalt  }
0x5c: {  	_ =	shalt  }
0x5d: {  	_ =	shalt  }
0x5e: {  	_ =	shalt  }
0x5f: {  	_ =	shalt  }
0x60: {  	_ =	shalt  }
0x61: {  	_ =	shalt  }
0x62: {  	_ =	shalt  }
0x63: {  	_ =	shalt  }
0x64: {  	_ =	shalt  }
0x65: {  	_ =	shalt  }
0x66: {  	_ =	shalt  }
0x67: {  	_ =	shalt  }
0x68: {  	_ =	shalt  }
0x69: {  	_ =	shalt  }
0x6a: {  	_ =	shalt  }
0x6b: {  	_ =	shalt  }
0x6c: {  	_ =	shalt  }
0x6d: {  	_ =	shalt  }
0x6e: {  	_ =	shalt  }
0x6f: {  	_ =	shalt  }
0x70: {  	_ =	shalt  }
0x71: {  	_ =	shalt  }
0x72: {  	_ =	shalt  }
0x73: {  	_ =	shalt  }
0x74: {  	_ =	shalt  }
0x75: {  	_ =	shalt  }
0x76: {  	_ =	shalt  }
0x77: {  	_ =	shalt  }
0x78: {  	_ =	shalt  }
0x79: {  	_ =	shalt  }
0x7a: {  	_ =	shalt  }
0x7b: {  	_ =	shalt  }
0x7c: {  	_ =	shalt  }
0x7d: {  	_ =	shalt  }
0x7e: {  	_ =	shalt  }
0x7f: {  	_ =	shalt  }
0x80: {  	_ =	shalt  }
0x81: {  	_ =	shalt  }
0x82: {  	_ =	shalt  }
0x83: {  	_ =	shalt  }
0x84: {  	_ =	shalt  }
0x85: {  	_ =	shalt  }
0x86: {  	_ =	shalt  }
0x87: {  	_ =	shalt  }
.Lfunc_end0:
.L_simem_size_0:
called_computation_lowered:
.L_overlay_start_0:
0x88: {  	s2 =	sld [smem:$0x3FD9]  }
0x89: {  	s3 =	sld [smem:$0x3FFE];
	_ =	sdelay $0x1  }
0x8a: {  	s1 =	srdreg.scid  }
0x8b: {  	s0 =	sand.u32 $0x1, s1  }
0x8c: {  	s18 =	sshll.u32 s0, $0xA;
	s2 =	sadd.s32 s3, s2  }
0x8d: {  	s2 =	sadd.s32 s2, s18  }
0x8e: {  	[smem:$0x3FC5] =	sst s2  }
0x8f: {  	_ = 	snop  }
0x90: {  	s2 =	sld [smem:$0x3FC9]  }
0x91: {  	s19 =	sld [smem:$0x3FC8]  }
0x92: {  	s4 =	sld [smem:$0x3FC7]  }
0x93: {  	s5 =	sld [smem:$0x3FD0];
	(tm) =	ssettm $0x1  }
0x94: {  	s6 =	sld [smem:$0x3FFB];
	_ =	sdelay $0x3  }
0x95: {  	_ =	strace s6  }
0x96: {  	s6 =	sld [smem:$0x3FFC];
	_ =	sdelay $0x3  }
0x97: {  	_ =	strace s6  }
0x98: {  	s6 =	sld [smem:$0x3FFD];
	_ =	sdelay $0x3  }
0x99: {  	_ =	strace s6  }
0x9a: {  	_ =	strace $0x8FFFFFFF  }
0x9b: {  	s20 =	sld [smem:$0x3FDB];
	_ =	sdelay $0x1  }
0x9c: {  	s7 =	simm.s32 $_scs_section_size  }
0x9d: {  	s8 =	simm.s32 $_size__tile_overlayer_lowered;
	s9 =	simm.s32 $_tile_overlayer_lowered  }
0x9e: {  	s23 =	simm.s32 $0x1BFF;
	s22 =	sshll.u32 s9, $0x1;
	s6 =	sadd.s32 s7, s20  }
0x9f: {  	s10 =	simm.s32 $0x0;
	s21 =	sshll.u32 s8, $0x1;
	s8 =	sadd.s32 s22, s6  }
0xa0: {  	[timem:s10], [sflag:s23] =	dma.local [hbm:s8], s21  }
0xa1: {  	_ =	swait.ge [sflag:s23], s21  }
0xa2: {  	s7 =	ssub.s32 $0x0, s21;
	[sflag:s23] =	ssyncset.done $0x0  }
0xa3: {  	[sflag:s23] =	ssyncadd.s32 s7;
	_ =	sdelay $0x1  }
0xa4: {  	s24 =	simm.s32 $0x1B8B  }
0xa5: {  	_ =	swait.ge [sflag:s24], $0x1  }
0xa6: {  	[sflag:s24] =	ssyncset.done $0x0  }
0xa7: {  	s25 =	simm.s32 $0x1B8E;
	[sflag:s24] =	ssyncadd.s32 $0xFFFFFFFF  }
0xa8: {  	s26 =	simm.s32 $execute0_lowered;
	[smem:$0x3FD2] =	sst s25  }
0xa9: {  	s7 =	sshll.u32 s26, $0x1;
	_ =	strace $0x80000046;
	[dreg:$0x1] =	wrdreg $0xFFFFFFFF  }
0xaa: {  	s28 =	simm.s32 $_size_execute0_lowered;
	s6 =	sadd.s32 s6, s7;
	[dreg:$0x0] =	wrdreg $0x0  }
0xab: {  	s7 =	sshll.u32 s28, $0x1;
	[dreg:$0x2] =	wrdreg s6  }
0xac: {  	[dreg:$0x3] =	wrdreg s7  }
0xad: {  	[dreg:$0x4] =	wrdreg $0xC0  }
0xae: {  	_ =	task [dreg:s10], $0x5FFFF  }
0xaf: {  	[dreg:$0x1] =	wrdreg $0xFFFFFFFF  }
0xb0: {  	[dreg:$0x0] =	wrdreg $0x60  }
0xb1: {  	[dreg:$0x2] =	wrdreg s2  }
0xb2: {  	[dreg:$0x3] =	wrdreg s19  }
0xb3: {  	[dreg:$0x4] =	wrdreg s4  }
0xb4: {  	[dreg:$0x5] =	wrdreg s5  }
0xb5: {  	[dreg:$0x6] =	wrdreg $0x9  }
0xb6: {  	_ =	task.clear_ibuf [dreg:s10], $0x7FFFF;
	_ =	strace $0x90000046  }
0xb7: {  	s29 =	simm.s32 $0x9;
	_ =	strace $0x80000048  }
0xb8: {  	_ =	swait.ge [sflag:s29], $0x1  }
0xb9: {  	[sflag:s29] =	ssyncadd.s32 $0xFFFFFFFF  }
0xba: {  	_ =	strace $0x90000048  }
0xbb: {  	_ =	sfence  }
0xbc: {  	s30 =	sld [smem:$0x0];
	_ =	sdelay $0x2  }
0xbd: {  	s31 =	sshll.u32 s1, $0xD;
	s1 =	sshrl.u32 s1, $0x2  }
0xbe: {  	s3 =	sand.u32 $0x4000, s31;
	s1 =	sadd.s32 s1, s30  }
0xbf: {  	s0 =	sor.u32 s3, s0;
	s1 =	sshll.u32 s1, $0x11  }
0xc0: {  	s0 =	sor.u32 s1, s0  }
0xc1: {  	s0 =	sadd.s32 $0x8F2B, s0  }
0xc2: {  	[sflag:s0] =	ssyncadd.remote.s32 $0x1  }
0xc3: {  	_ =	sfence.sel $0xFFFF  }
0xc4: {  	[dreg:$0x0] =	wrdreg $0xFFFFFFFF;
	(pc) =	sbr.abs _section_cstart, $3  }
0xc5: {  	[dreg:$0x1] =	wrdreg $0xFFFFFFFF  }
0xc6: {  	_ =	task.clear_ibuf [dreg:s10], $0x2FFFF;
	_ =	strace $0x9FFFFFFF  }
0xc7: {  	(tm) =	ssettm $0x7FFFFFFF  }
tec
execute0_lowered:
.L_overlay_start_1:
0x0: {  	(tag) =	ssettag $0x1  }
0x1: {  	s7 =	rddreg [dreg:$0x0]  }
0x2: {  	s1 =	rddreg [dreg:$0x1]  }
0x3: {  	s2 =	rddreg [dreg:$0x2]  }
0x4: {  	s8 =	rddreg [dreg:$0x3]  }
0x5: {  	s0 =	rddreg [dreg:$0x4];
	s4 =	simm.s32 $0x0;
	s5 =	srdreg.scid  }
0x6: {  	s3 =	stileid.u32;
	s14 =	simm.s32 $0x5000;
	s15 =	simm.s32 $0x17800  }
0x7: {  	s16 =	simm.s32 $0x0;
	[smem:$0x7FF] =	sst s4;
	s5 =	sand.u32 $0x1, s5  }
0x8: {  	s6 =	sshll.u32 s3, $0x2;
	s10 =	sshrl.u32 s3, $0x1;
	s9 =	sshll.u32 s5, $0x1  }
0x9: {  	s28 =	smul.u32 $0x120000, s10;
	s5 =	ssub.s32 $0x2, s5;
	s6 =	sor.u32 s9, s6  }
0xa: {  	_ =	strace $0x80000047;
	s13 =	sshrl.u32 s5, $0x1;
	s29 =	sshll.u32 s6, $0x7  }
0xb: {  	s11 =	sor.u32 $0x1, s6;
	s9 =	sadd.s32 $0x108000, s28;
	s13 =	ssub.s32 s5, s13  }
0xc: {  	s6 =	sshll.u32 s6, $0x10;
	s10 =	sand.u32 $0x300, s29;
	s12 =	sshll.u32 s11, $0x7  }
0xd: {  	s6 =	sadd.s32 s8, s6;
	s31 =	sshll.u32 s11, $0x10;
	s11 =	simm.s32 $0x17000  }
0xe: {  	v0 =	vlaneseq.u32;
	s10 =	sor.u32 s9, s10;
	s12 =	sand.u32 $0x380, s12;
	s8 =	sadd.s32 s8, s31  }
0xf: {  	v1 =	vmul.u32 $0x3, v0;
	s30 =	sshrl.u32 s10, $0x3;
	s9 =	sor.u32 s9, s12;
	s10 =	simm.s32 $0x1  }
0x10: {  	s12 =	simm.s32 $0x80;
	s5 =	sadd.s32 s7, s30;
	s9 =	sshrl.u32 s9, $0x3  }
0x11: {  	v0 =	vadd.s32 $0x1, v1;
	v1 =	vadd.s32 $0x2, v1;
	s7 =	sadd.s32 s7, s9;
	s9 =	smax.u32 s13, $0x1;
	s13 =	simm.s32 $0x400  }
.LBB2_1:
0x12: {  	s17 =	simm.s32 $0x80  }
0x13: {  	s20 =	sadd.s32 $0x0, s1;
	s18 =	simm.s32 $0x5800;
	s19 =	simm.s32 $0x5000  }
.LBB2_2:
0x14: {  	[tilespmem:s19], [sflag:$0x1] =	stream.linear.gather [hbm4b:s20+s4], $0x400, $0x38;
	[tilespmem:$0x1F800] =	vst v63  }
0x15: {  	s20 =	smov.u32 s17;
	s19 =	smov.u32 s18;
	p0 =	sne.s32 s17, $0x1180  }
.Ltmp0:
0x16: {  	s17 =	sadd.s32 $0x80, s17;
	(pc) =	sbr.rel @p0 .LBB2_2-.Ltmp0, $2  }
0x17: {  	_ =	sdelay $0x2  }
0x18: {  	s18 =	sadd.s32 $0x800, s18;
	s20 =	sadd.s32 s20, s1  }
0x19: {  	[tilespmem:s19], [sflag:$0x1] =	stream.linear.gather [hbm4b:s20+s4], $0x400, $0x38;
	[tilespmem:$0x1F800] =	vst v63  }
0x1a: {  	_ =	swait.ge [sflag:s10], $0x9000  }
0x1b: {  	[sflag:s10] =	ssyncset.done $0x0  }
0x1c: {  	s17 =	simm.s32 $0x0;
	[sflag:s10] =	ssyncadd.s32 $0xFFFF7000  }
0x1d: {  	[tilespmem:s11], [sflag:$0x1] =	stream.linear.gather [hbm4b:s2+s17], $0x400, $0x38;
	[tilespmem:$0x1F800] =	vst v63  }
0x1e: {  	_ =	swait.ge [sflag:s10], $0x400  }
0x1f: {  	[sflag:s10] =	ssyncset.done $0x0  }
0x20: {  	v2 =	vadd.s32 s17, v0;
	[sflag:s10] =	ssyncadd.s32 $0xFFFFFC00  }
0x21: {  	[tilespmem:s17], [sflag:$0x1] =	stream.strided.gather [hbm4b:s5+s12], $0x3000, s13, s12, $0x38;
	[tilespmem:$0x1F800] =	vst v63  }
0x22: {  	_ =	swait.ge [sflag:s10], $0x3000  }
0x23: {  	v3 =	vadd.s32 s17, v1;
	[sflag:s10] =	ssyncset.done $0x0  }
0x24: {  	[sflag:s10] =	ssyncadd.s32 $0xFFFFD000  }
0x25: {  	v2 =	vld.idx.msk [tilespmem:v2+s17+$0x0], $0xffff;
	_ =	sdelay $0x2  }
0x26: {  	v3 =	vld.idx.msk [tilespmem:v3+s17+$0x0], $0xffff;
	_ =	sdelay $0x1  }
0x27: {  	v2 =	vmul.f32 $2.880000000e+02, v2;
	_ =	sdelay $0x1  }
0x28: {  	v2 =	vtrunc.f32 v2  }
0x29: {  	v3 =	vtrunc.f32 v3;
	v2 =	vcvt.f32.s32 v2  }
0x2a: {  	s31 =	simm.s32 $0x30;
	v3 =	vcvt.f32.s32 v3  }
0x2b: {  	v4 =	vadd.s32 s31, v0;
	vm0 =	vgt.s32 v2, $0x0  }
0x2c: {  	v2 =	vnsel vm0, $0x0, v2;
	vm0 =	vgt.s32 v3, $0x0  }
0x2d: {  	s19 =	simm.s32 $0x3000;
	v2 =	vmin.u32 v2, $0x11F;
	v3 =	vnsel vm0, $0x0, v3  }
0x2e: {  	s18 =	simm.s32 $0x4000;
	v5 =	vadd.s32 s31, v1;
	v3 =	vmin.u32 v3, $0x6;
	[tilespmem:s19+$0x0] =	vst v2  }
0x2f: {  	[tilespmem:s18+$0x0] =	vst v3  }
0x30: {  	v2 =	vld.idx.msk [tilespmem:v4+s17+$0x0], $0xffff;
	_ =	sdelay $0x2  }
0x31: {  	v3 =	vld.idx.msk [tilespmem:v5+s17+$0x0], $0xffff;
	_ =	sdelay $0x1  }
0x32: {  	v2 =	vmul.f32 $2.880000000e+02, v2;
	_ =	sdelay $0x1  }
0x33: {  	v2 =	vtrunc.f32 v2  }
0x34: {  	v4 =	vcvt.f32.s32 v2;
	v2 =	vtrunc.f32 v3  }
0x35: {  	s20 =	simm.s32 $0x60;
	v3 =	vcvt.f32.s32 v2  }
0x36: {  	v2 =	vadd.s32 s20, v0;
	vm0 =	vgt.s32 v4, $0x0  }
0x37: {  	s21 =	simm.s32 $0x90;
	v4 =	vnsel vm0, $0x0, v4;
	vm0 =	vgt.s32 v3, $0x0  }
.LBB2_4:
0x38: {  	p0 =	sne.s32 s21, $0x2FD0;
	v4 =	vmin.u32 v4, $0x11F;
	v3 =	vnsel vm0, $0x0, v3;
	s19 =	sadd.s32 $0x10, s19  }
0x39: {  	v5 =	vadd.s32 s20, v1;
	s18 =	sadd.s32 $0x10, s18;
	s20 =	smov.u32 s21;
	v3 =	vmin.u32 v3, $0x6;
	[tilespmem:s19+$0x0] =	vst v4  }
0x3a: {  	[tilespmem:s18+$0x0] =	vst v3  }
0x3b: {  	v2 =	vld.idx.msk [tilespmem:v2+s17+$0x0], $0xffff;
	_ =	sdelay $0x2  }
0x3c: {  	v3 =	vld.idx.msk [tilespmem:v5+s17+$0x0], $0xffff;
	_ =	sdelay $0x2  }
0x3d: {  	v2 =	vmul.f32 $2.880000000e+02, v2;
	_ =	sdelay $0x1  }
.Ltmp1:
0x3e: {  	v2 =	vtrunc.f32 v2;
	(pc) =	sbr.rel @p0 .LBB2_4-.Ltmp1, $4  }
0x3f: {  	v4 =	vcvt.f32.s32 v2;
	v2 =	vtrunc.f32 v3  }
0x40: {  	v3 =	vcvt.f32.s32 v2  }
0x41: {  	v2 =	vadd.s32 s21, v0;
	vm0 =	vgt.s32 v4, $0x0  }
0x42: {  	s21 =	sadd.s32 $0x30, s21;
	v4 =	vnsel vm0, $0x0, v4;
	vm0 =	vgt.s32 v3, $0x0  }
0x43: {  	_ = 	snop  }
0x44: {  	v4 =	vmin.u32 v4, $0x11F;
	v3 =	vnsel vm0, $0x0, v3;
	s19 =	sadd.s32 $0x10, s19  }
0x45: {  	v5 =	vadd.s32 s20, v1;
	s18 =	sadd.s32 $0x10, s18;
	v3 =	vmin.u32 v3, $0x6;
	[tilespmem:s19+$0x0] =	vst v4  }
0x46: {  	[tilespmem:s18+$0x0] =	vst v3  }
0x47: {  	v2 =	vld.idx.msk [tilespmem:v2+s17+$0x0], $0xffff;
	_ =	sdelay $0x2  }
0x48: {  	v3 =	vld.idx.msk [tilespmem:v5+s17+$0x0], $0xffff;
	_ =	sdelay $0x1  }
0x49: {  	v2 =	vmul.f32 $2.880000000e+02, v2;
	_ =	sdelay $0x1  }
0x4a: {  	v2 =	vtrunc.f32 v2  }
0x4b: {  	v3 =	vtrunc.f32 v3;
	v2 =	vcvt.f32.s32 v2  }
0x4c: {  	v3 =	vcvt.f32.s32 v3  }
0x4d: {  	vm14 =	vgt.s32 v2, $0x0  }
0x4e: {  	vm15 =	vgt.s32 v3, $0x0;
	v2 =	vnsel vm14, $0x0, v2  }
0x4f: {  	s19 =	sadd.s32 $0x10, s19;
	v3 =	vnsel vm15, $0x0, v3;
	v2 =	vmin.u32 v2, $0x11F  }
0x50: {  	s18 =	sadd.s32 $0x10, s18;
	v3 =	vmin.u32 v3, $0x6;
	[tilespmem:s19+$0x0] =	vst v2  }
0x51: {  	[tilespmem:s18+$0x0] =	vst v3  }
.LBB2_6:
0x52: {  	s19 =	simm.s32 $0x4000  }
0x53: {  	s18 =	simm.s32 $0x3000;
	v3 =	vld [tilespmem:s19+$0x0]  }
0x54: {  	v4 =	vld [tilespmem:s18+$0x0];
	_ =	sdelay $0x2  }
0x55: {  	s20 =	sshll.u32 s17, $0x3  }
0x56: {  	v2 =	vmov s20  }
0x57: {  	v5 =	vshll.u32 v3, $0x8;
	v6 =	vshll.u32 v4, $0x8;
	v4 =	vshll.u32 v4, $0x7  }
0x58: {  	v3 =	vshll.u32 v3, $0x7;
	v6 =	vand.u32 $0xFFFFF800, v6;
	v4 =	vand.u32 $0x380, v4  }
0x59: {  	v5 =	vand.u32 $0xFFFFF800, v5;
	v3 =	vand.u32 $0x380, v3;
	v10 =	vor.u32 v4, v6  }
0x5a: {  	v11 =	vor.u32 v3, v5;
	v3 =	vor.u32 v2, v10  }
0x5b: {  	v4 =	vor.u32 v2, v11;
	_ =	sdelay $0x3  }
0x5c: {  	v5 =	vld.idx.msk [tilespmem:v3+s14+$0x0], $0xffff  }
0x5d: {  	v4 =	vld.idx.msk [tilespmem:v4+s11+$0x0], $0xffff  }
0x5e: {  	s24 =	sor.u32 $0x1, s20  }
0x5f: {  	v3 =	vmov s24  }
0x60: {  	v6 =	vor.u32 v3, v10  }
0x61: {  	s19 =	simm.s32 $0x0;
	v7 =	vor.u32 v3, v11  }
0x62: {  	s21 =	sand.u32 $0x70, s19;
	s22 =	sand.u32 $0x7C00, s19;
	v4 =	vadd.f32 v4, v5  }
0x63: {  	s21 =	sor.u32 s21, s22  }
0x64: {  	[tilespmem:s21+$0x17800] =	vst v4  }
0x65: {  	v5 =	vld.idx.msk [tilespmem:v6+s14+$0x0], $0xffff  }
0x66: {  	v6 =	vld.idx.msk [tilespmem:v7+s11+$0x0], $0xffff  }
0x67: {  	s25 =	sor.u32 $0x2, s20  }
0x68: {  	v4 =	vmov s25  }
0x69: {  	v7 =	vor.u32 v4, v10  }
0x6a: {  	v8 =	vor.u32 v4, v11  }
0x6b: {  	v5 =	vadd.f32 v6, v5  }
0x6c: {  	s21 =	sadd.s32 $0x17800, s21  }
0x6d: {  	[tilespmem:s21+$0x80] =	vst v5  }
0x6e: {  	v6 =	vld.idx.msk [tilespmem:v7+s14+$0x0], $0xffff  }
0x6f: {  	v7 =	vld.idx.msk [tilespmem:v8+s11+$0x0], $0xffff  }
0x70: {  	s26 =	sor.u32 $0x3, s20  }
0x71: {  	v5 =	vmov s26  }
0x72: {  	v8 =	vor.u32 v5, v10  }
0x73: {  	v9 =	vor.u32 v5, v11  }
0x74: {  	v6 =	vadd.f32 v7, v6;
	_ =	sdelay $0x1  }
0x75: {  	[tilespmem:s21+$0x100] =	vst v6  }
0x76: {  	v7 =	vld.idx.msk [tilespmem:v8+s14+$0x0], $0xffff  }
0x77: {  	v8 =	vld.idx.msk [tilespmem:v9+s11+$0x0], $0xffff  }
0x78: {  	s28 =	sor.u32 $0x4, s20  }
0x79: {  	v6 =	vmov s28  }
0x7a: {  	v9 =	vor.u32 v6, v10  }
0x7b: {  	v12 =	vor.u32 v6, v11  }
0x7c: {  	v7 =	vadd.f32 v8, v7;
	_ =	sdelay $0x1  }
0x7d: {  	[tilespmem:s21+$0x180] =	vst v7  }
0x7e: {  	v8 =	vld.idx.msk [tilespmem:v9+s14+$0x0], $0xffff  }
0x7f: {  	v9 =	vld.idx.msk [tilespmem:v12+s11+$0x0], $0xffff  }
0x80: {  	s29 =	sor.u32 $0x5, s20  }
0x81: {  	v7 =	vmov s29  }
0x82: {  	v59 =	vor.u32 v7, v10  }
0x83: {  	v13 =	vor.u32 v7, v11  }
0x84: {  	v8 =	vadd.f32 v9, v8;
	_ =	sdelay $0x1  }
0x85: {  	[tilespmem:s21+$0x200] =	vst v8  }
0x86: {  	v9 =	vld.idx.msk [tilespmem:v59+s14+$0x0], $0xffff  }
0x87: {  	v60 =	vld.idx.msk [tilespmem:v13+s11+$0x0], $0xffff  }
0x88: {  	s20 =	sor.u32 $0x6, s20  }
0x89: {  	v8 =	vmov s20  }
0x8a: {  	v61 =	vor.u32 v8, v10  }
0x8b: {  	v14 =	vor.u32 v8, v11  }
0x8c: {  	v9 =	vadd.f32 v60, v9;
	_ =	sdelay $0x1  }
0x8d: {  	[tilespmem:s21+$0x280] =	vst v9  }
0x8e: {  	v62 =	vld.idx.msk [tilespmem:v61+s14+$0x0], $0xffff  }
0x8f: {  	v63 =	vld.idx.msk [tilespmem:v14+s11+$0x0], $0xffff  }
0x90: {  	s30 =	sshllo.u32 s17, $0x3  }
0x91: {  	v9 =	vmov s30  }
0x92: {  	v10 =	vor.u32 v9, v10;
	_ =	sdelay $0x1  }
0x93: {  	v11 =	vor.u32 v9, v11;
	v12 =	vadd.f32 v63, v62  }
0x94: {  	s31 =	sand.u32 $0x7, s19  }
0x95: {  	s23 =	simm.s32 $0x0;
	s22 =	sshll.u32 s31, $0x4;
	[tilespmem:s21+$0x300] =	vst v12  }
0x96: {  	s20 =	simm.s32 $0x10;
	s21 =	sadd.s32 $0x0, s22;
	s22 =	simm.s32 $0x4010;
	v10 =	vld.idx.msk [tilespmem:v10+s14+$0x0], $0xffff  }
.LBB2_7:
0x97: {  	s19 =	sadd.s32 $0x80, s19  }
0x98: {  	v11 =	vld.idx.msk [tilespmem:v11+s11+$0x0], $0xffff;
	s23 =	sadd.s32 $0x1, s23;
	s18 =	sadd.s32 $0x10, s18;
	s24 =	smov.u32 s20  }
0x99: {  	p0 =	sne.s32 s20, $0xFF0;
	s20 =	sadd.s32 $0x10, s20;
	s25 =	sand.u32 $0x7, s23  }
0x9a: {  	s25 =	sshll.u32 s25, $0x4  }
0x9b: {  	s25 =	sadd.s32 s25, s19;
	_ =	sdelay $0x2  }
0x9c: {  	s26 =	sor.u32 $0x380, s21;
	s21 =	smov.u32 s25;
	v10 =	vadd.f32 v11, v10;
	_ =	sdelay $0x1  }
0x9d: {  	[tilespmem:s26+$0x17800] =	vst v10  }
0x9e: {  	v10 =	vld [tilespmem:s22+$0x0]  }
0x9f: {  	v11 =	vld [tilespmem:s18+$0x0];
	_ =	sdelay $0x3  }
0xa0: {  	v12 =	vshll.u32 v10, $0x8;
	v10 =	vshll.u32 v10, $0x7  }
0xa1: {  	v13 =	vshll.u32 v11, $0x8;
	v11 =	vshll.u32 v11, $0x7;
	v12 =	vand.u32 $0xFFFFF800, v12  }
0xa2: {  	v10 =	vand.u32 $0x380, v10;
	v13 =	vand.u32 $0xFFFFF800, v13;
	v11 =	vand.u32 $0x380, v11  }
0xa3: {  	v10 =	vor.u32 v10, v12;
	v11 =	vor.u32 v11, v13  }
0xa4: {  	v13 =	vor.u32 v2, v10;
	v12 =	vor.u32 v2, v11;
	_ =	sdelay $0x4  }
0xa5: {  	v12 =	vld.idx.msk [tilespmem:v12+s14+$0x0], $0xffff  }
0xa6: {  	v13 =	vld.idx.msk [tilespmem:v13+s11+$0x0], $0xffff;
	_ =	sdelay $0x3  }
0xa7: {  	v14 =	vor.u32 v3, v11  }
0xa8: {  	v15 =	vor.u32 v3, v10  }
0xa9: {  	s24 =	sand.u32 $0x70, s24;
	s25 =	sand.u32 $0x7C00, s19;
	v12 =	vadd.f32 v13, v12  }
0xaa: {  	s24 =	sor.u32 s24, s25  }
0xab: {  	[tilespmem:s24+$0x17800] =	vst v12  }
0xac: {  	v12 =	vld.idx.msk [tilespmem:v14+s14+$0x0], $0xffff  }
0xad: {  	v13 =	vld.idx.msk [tilespmem:v15+s11+$0x0], $0xffff;
	_ =	sdelay $0x3  }
0xae: {  	v14 =	vor.u32 v4, v11  }
0xaf: {  	v15 =	vor.u32 v4, v10  }
0xb0: {  	v12 =	vadd.f32 v13, v12  }
0xb1: {  	s24 =	sadd.s32 $0x17800, s24  }
0xb2: {  	[tilespmem:s24+$0x80] =	vst v12  }
0xb3: {  	v12 =	vld.idx.msk [tilespmem:v14+s14+$0x0], $0xffff  }
0xb4: {  	v13 =	vld.idx.msk [tilespmem:v15+s11+$0x0], $0xffff;
	_ =	sdelay $0x3  }
0xb5: {  	v14 =	vor.u32 v5, v11  }
0xb6: {  	v15 =	vor.u32 v5, v10  }
0xb7: {  	v12 =	vadd.f32 v13, v12;
	_ =	sdelay $0x1  }
0xb8: {  	[tilespmem:s24+$0x100] =	vst v12  }
0xb9: {  	v12 =	vld.idx.msk [tilespmem:v14+s14+$0x0], $0xffff  }
0xba: {  	v13 =	vld.idx.msk [tilespmem:v15+s11+$0x0], $0xffff;
	_ =	sdelay $0x3  }
0xbb: {  	v14 =	vor.u32 v6, v11  }
0xbc: {  	v15 =	vor.u32 v6, v10  }
0xbd: {  	v12 =	vadd.f32 v13, v12;
	_ =	sdelay $0x1  }
0xbe: {  	[tilespmem:s24+$0x180] =	vst v12  }
0xbf: {  	v12 =	vld.idx.msk [tilespmem:v14+s14+$0x0], $0xffff  }
0xc0: {  	v13 =	vld.idx.msk [tilespmem:v15+s11+$0x0], $0xffff;
	_ =	sdelay $0x3  }
0xc1: {  	v14 =	vor.u32 v7, v11  }
0xc2: {  	v15 =	vor.u32 v7, v10  }
0xc3: {  	v12 =	vadd.f32 v13, v12;
	_ =	sdelay $0x1  }
0xc4: {  	[tilespmem:s24+$0x200] =	vst v12  }
0xc5: {  	v12 =	vld.idx.msk [tilespmem:v14+s14+$0x0], $0xffff  }
0xc6: {  	v13 =	vld.idx.msk [tilespmem:v15+s11+$0x0], $0xffff;
	_ =	sdelay $0x3  }
0xc7: {  	v14 =	vor.u32 v8, v11  }
0xc8: {  	v15 =	vor.u32 v8, v10  }
0xc9: {  	v12 =	vadd.f32 v13, v12;
	_ =	sdelay $0x1  }
0xca: {  	[tilespmem:s24+$0x280] =	vst v12  }
0xcb: {  	v12 =	vld.idx.msk [tilespmem:v14+s14+$0x0], $0xffff  }
0xcc: {  	v13 =	vld.idx.msk [tilespmem:v15+s11+$0x0], $0xffff;
	_ =	sdelay $0x3  }
0xcd: {  	v14 =	vor.u32 v9, v11;
	v11 =	vor.u32 v9, v10  }
.Ltmp2:
0xce: {  	(pc) =	sbr.rel @p0 .LBB2_7-.Ltmp2, $3  }
0xcf: {  	v10 =	vadd.f32 v13, v12;
	_ =	sdelay $0x1  }
0xd0: {  	[tilespmem:s24+$0x300] =	vst v10  }
0xd1: {  	s22 =	sadd.s32 $0x10, s22;
	v10 =	vld.idx.msk [tilespmem:v14+s14+$0x0], $0xffff  }
0xd2: {  	_ =	sdelay $0x3  }
0xd3: {  	v2 =	vld.idx.msk [tilespmem:v11+s11+$0x0], $0xffff;
	_ =	sdelay $0x4  }
0xd4: {  	s19 =	sshll.u32 s17, $0xC;
	s17 =	sadd.s32 $0x1, s17;
	v2 =	vadd.f32 v2, v10  }
0xd5: {  	s18 =	sor.u32 $0x380, s21;
	p0 =	sne.s32 s17, $0x10  }
.Ltmp3:
0xd6: {  	s31 =	sadd.s32 s19, s6;
	[tilespmem:s18+$0x17800] =	vst v2;
	(pc) =	sbr.rel @p0 .LBB2_6-.Ltmp3, $4  }
0xd7: {  	[hbm4b:s31+s4] =	stream.linear.scatter [tilespmem:s15], [sflag:$0x1], $0x8000, $0x38;
	[tilespmem:$0x1F800] =	vst v63  }
0xd8: {  	_ =	swait.ge [sflag:s10], $0x8000  }
0xd9: {  	[sflag:s10] =	ssyncset.done $0x0  }
0xda: {  	[sflag:s10] =	ssyncadd.s32 $0xFFFF8000  }
0xdb: {  	s17 =	simm.s32 $0x0  }
0xdc: {  	v2 =	vadd.s32 s17, v0  }
0xdd: {  	[tilespmem:s17], [sflag:$0x1] =	stream.strided.gather [hbm4b:s7+s12], $0x3000, s13, s12, $0x38;
	[tilespmem:$0x1F800] =	vst v63  }
0xde: {  	_ =	swait.ge [sflag:s10], $0x3000  }
0xdf: {  	v3 =	vadd.s32 s17, v1;
	[sflag:s10] =	ssyncset.done $0x0  }
0xe0: {  	[sflag:s10] =	ssyncadd.s32 $0xFFFFD000  }
0xe1: {  	v2 =	vld.idx.msk [tilespmem:v2+s17+$0x0], $0xffff;
	_ =	sdelay $0x2  }
0xe2: {  	v3 =	vld.idx.msk [tilespmem:v3+s17+$0x0], $0xffff;
	_ =	sdelay $0x1  }
0xe3: {  	v2 =	vmul.f32 $2.880000000e+02, v2;
	_ =	sdelay $0x1  }
0xe4: {  	v2 =	vtrunc.f32 v2  }
0xe5: {  	v3 =	vtrunc.f32 v3;
	v2 =	vcvt.f32.s32 v2  }
0xe6: {  	s20 =	simm.s32 $0x30;
	v3 =	vcvt.f32.s32 v3  }
0xe7: {  	v4 =	vadd.s32 s20, v0;
	vm0 =	vgt.s32 v2, $0x0  }
0xe8: {  	v2 =	vnsel vm0, $0x0, v2;
	vm0 =	vgt.s32 v3, $0x0  }
0xe9: {  	s19 =	simm.s32 $0x3000;
	v2 =	vmin.u32 v2, $0x11F;
	v3 =	vnsel vm0, $0x0, v3  }
0xea: {  	s18 =	simm.s32 $0x4000;
	v5 =	vadd.s32 s20, v1;
	v3 =	vmin.u32 v3, $0x6;
	[tilespmem:s19+$0x0] =	vst v2  }
0xeb: {  	[tilespmem:s18+$0x0] =	vst v3  }
0xec: {  	v2 =	vld.idx.msk [tilespmem:v4+s17+$0x0], $0xffff;
	_ =	sdelay $0x2  }
0xed: {  	v3 =	vld.idx.msk [tilespmem:v5+s17+$0x0], $0xffff;
	_ =	sdelay $0x1  }
0xee: {  	v2 =	vmul.f32 $2.880000000e+02, v2;
	_ =	sdelay $0x1  }
0xef: {  	v2 =	vtrunc.f32 v2  }
0xf0: {  	v4 =	vcvt.f32.s32 v2;
	v2 =	vtrunc.f32 v3  }
0xf1: {  	s20 =	simm.s32 $0x60;
	v3 =	vcvt.f32.s32 v2  }
0xf2: {  	v2 =	vadd.s32 s20, v0;
	vm0 =	vgt.s32 v4, $0x0  }
0xf3: {  	s21 =	simm.s32 $0x90;
	v4 =	vnsel vm0, $0x0, v4;
	vm0 =	vgt.s32 v3, $0x0  }
.LBB2_10:
0xf4: {  	p0 =	sne.s32 s21, $0x2FD0;
	v4 =	vmin.u32 v4, $0x11F;
	v3 =	vnsel vm0, $0x0, v3;
	s19 =	sadd.s32 $0x10, s19  }
0xf5: {  	v5 =	vadd.s32 s20, v1;
	s18 =	sadd.s32 $0x10, s18;
	s20 =	smov.u32 s21;
	v3 =	vmin.u32 v3, $0x6;
	[tilespmem:s19+$0x0] =	vst v4  }
0xf6: {  	[tilespmem:s18+$0x0] =	vst v3  }
0xf7: {  	v2 =	vld.idx.msk [tilespmem:v2+s17+$0x0], $0xffff;
	_ =	sdelay $0x2  }
0xf8: {  	v3 =	vld.idx.msk [tilespmem:v5+s17+$0x0], $0xffff;
	_ =	sdelay $0x2  }
0xf9: {  	v2 =	vmul.f32 $2.880000000e+02, v2;
	_ =	sdelay $0x1  }
.Ltmp4:
0xfa: {  	v2 =	vtrunc.f32 v2;
	(pc) =	sbr.rel @p0 .LBB2_10-.Ltmp4, $4  }
0xfb: {  	v4 =	vcvt.f32.s32 v2;
	v2 =	vtrunc.f32 v3  }
0xfc: {  	v3 =	vcvt.f32.s32 v2  }
0xfd: {  	v2 =	vadd.s32 s21, v0;
	vm0 =	vgt.s32 v4, $0x0  }
0xfe: {  	s21 =	sadd.s32 $0x30, s21;
	v4 =	vnsel vm0, $0x0, v4;
	vm0 =	vgt.s32 v3, $0x0  }
0xff: {  	_ = 	snop  }
0x100: {  	v4 =	vmin.u32 v4, $0x11F;
	v3 =	vnsel vm0, $0x0, v3;
	s19 =	sadd.s32 $0x10, s19  }
0x101: {  	v5 =	vadd.s32 s20, v1;
	s18 =	sadd.s32 $0x10, s18;
	v3 =	vmin.u32 v3, $0x6;
	[tilespmem:s19+$0x0] =	vst v4  }
0x102: {  	[tilespmem:s18+$0x0] =	vst v3  }
0x103: {  	v2 =	vld.idx.msk [tilespmem:v2+s17+$0x0], $0xffff;
	_ =	sdelay $0x2  }
0x104: {  	v3 =	vld.idx.msk [tilespmem:v5+s17+$0x0], $0xffff;
	_ =	sdelay $0x1  }
0x105: {  	v2 =	vmul.f32 $2.880000000e+02, v2;
	_ =	sdelay $0x1  }
0x106: {  	v2 =	vtrunc.f32 v2  }
0x107: {  	v3 =	vtrunc.f32 v3;
	v2 =	vcvt.f32.s32 v2  }
0x108: {  	v3 =	vcvt.f32.s32 v3  }
0x109: {  	vm14 =	vgt.s32 v2, $0x0  }
0x10a: {  	vm15 =	vgt.s32 v3, $0x0;
	v2 =	vnsel vm14, $0x0, v2  }
0x10b: {  	s19 =	sadd.s32 $0x10, s19;
	v3 =	vnsel vm15, $0x0, v3;
	v2 =	vmin.u32 v2, $0x11F  }
0x10c: {  	s18 =	sadd.s32 $0x10, s18;
	v3 =	vmin.u32 v3, $0x6;
	[tilespmem:s19+$0x0] =	vst v2  }
0x10d: {  	[tilespmem:s18+$0x0] =	vst v3  }
.LBB2_12:
0x10e: {  	s19 =	simm.s32 $0x4000  }
0x10f: {  	s18 =	simm.s32 $0x3000;
	v3 =	vld [tilespmem:s19+$0x0]  }
0x110: {  	v4 =	vld [tilespmem:s18+$0x0];
	_ =	sdelay $0x2  }
0x111: {  	s20 =	sshll.u32 s17, $0x3  }
0x112: {  	v2 =	vmov s20  }
0x113: {  	v5 =	vshll.u32 v3, $0x8;
	v6 =	vshll.u32 v4, $0x8;
	v4 =	vshll.u32 v4, $0x7  }
0x114: {  	v3 =	vshll.u32 v3, $0x7;
	v6 =	vand.u32 $0xFFFFF800, v6;
	v4 =	vand.u32 $0x380, v4  }
0x115: {  	v5 =	vand.u32 $0xFFFFF800, v5;
	v3 =	vand.u32 $0x380, v3;
	v10 =	vor.u32 v4, v6  }
0x116: {  	v11 =	vor.u32 v3, v5;
	v3 =	vor.u32 v2, v10  }
0x117: {  	v4 =	vor.u32 v2, v11;
	_ =	sdelay $0x3  }
0x118: {  	v5 =	vld.idx.msk [tilespmem:v3+s14+$0x0], $0xffff  }
0x119: {  	v4 =	vld.idx.msk [tilespmem:v4+s11+$0x0], $0xffff  }
0x11a: {  	s24 =	sor.u32 $0x1, s20  }
0x11b: {  	v3 =	vmov s24  }
0x11c: {  	v6 =	vor.u32 v3, v10  }
0x11d: {  	s19 =	simm.s32 $0x0;
	v7 =	vor.u32 v3, v11  }
0x11e: {  	s21 =	sand.u32 $0x70, s19;
	s22 =	sand.u32 $0x7C00, s19;
	v4 =	vadd.f32 v4, v5  }
0x11f: {  	s21 =	sor.u32 s21, s22  }
0x120: {  	[tilespmem:s21+$0x17800] =	vst v4  }
0x121: {  	v5 =	vld.idx.msk [tilespmem:v6+s14+$0x0], $0xffff  }
0x122: {  	v6 =	vld.idx.msk [tilespmem:v7+s11+$0x0], $0xffff  }
0x123: {  	s25 =	sor.u32 $0x2, s20  }
0x124: {  	v4 =	vmov s25  }
0x125: {  	v7 =	vor.u32 v4, v10  }
0x126: {  	v8 =	vor.u32 v4, v11  }
0x127: {  	v5 =	vadd.f32 v6, v5  }
0x128: {  	s21 =	sadd.s32 $0x17800, s21  }
0x129: {  	[tilespmem:s21+$0x80] =	vst v5  }
0x12a: {  	v6 =	vld.idx.msk [tilespmem:v7+s14+$0x0], $0xffff  }
0x12b: {  	v7 =	vld.idx.msk [tilespmem:v8+s11+$0x0], $0xffff  }
0x12c: {  	s26 =	sor.u32 $0x3, s20  }
0x12d: {  	v5 =	vmov s26  }
0x12e: {  	v8 =	vor.u32 v5, v10  }
0x12f: {  	v9 =	vor.u32 v5, v11  }
0x130: {  	v6 =	vadd.f32 v7, v6;
	_ =	sdelay $0x1  }
0x131: {  	[tilespmem:s21+$0x100] =	vst v6  }
0x132: {  	v7 =	vld.idx.msk [tilespmem:v8+s14+$0x0], $0xffff  }
0x133: {  	v8 =	vld.idx.msk [tilespmem:v9+s11+$0x0], $0xffff  }
0x134: {  	s28 =	sor.u32 $0x4, s20  }
0x135: {  	v6 =	vmov s28  }
0x136: {  	v9 =	vor.u32 v6, v10  }
0x137: {  	v12 =	vor.u32 v6, v11  }
0x138: {  	v7 =	vadd.f32 v8, v7;
	_ =	sdelay $0x1  }
0x139: {  	[tilespmem:s21+$0x180] =	vst v7  }
0x13a: {  	v8 =	vld.idx.msk [tilespmem:v9+s14+$0x0], $0xffff  }
0x13b: {  	v9 =	vld.idx.msk [tilespmem:v12+s11+$0x0], $0xffff  }
0x13c: {  	s29 =	sor.u32 $0x5, s20  }
0x13d: {  	v7 =	vmov s29  }
0x13e: {  	v59 =	vor.u32 v7, v10  }
0x13f: {  	v13 =	vor.u32 v7, v11  }
0x140: {  	v8 =	vadd.f32 v9, v8;
	_ =	sdelay $0x1  }
0x141: {  	[tilespmem:s21+$0x200] =	vst v8  }
0x142: {  	v9 =	vld.idx.msk [tilespmem:v59+s14+$0x0], $0xffff  }
0x143: {  	v60 =	vld.idx.msk [tilespmem:v13+s11+$0x0], $0xffff  }
0x144: {  	s20 =	sor.u32 $0x6, s20  }
0x145: {  	v8 =	vmov s20  }
0x146: {  	v61 =	vor.u32 v8, v10  }
0x147: {  	v14 =	vor.u32 v8, v11  }
0x148: {  	v9 =	vadd.f32 v60, v9;
	_ =	sdelay $0x1  }
0x149: {  	[tilespmem:s21+$0x280] =	vst v9  }
0x14a: {  	v62 =	vld.idx.msk [tilespmem:v61+s14+$0x0], $0xffff  }
0x14b: {  	v63 =	vld.idx.msk [tilespmem:v14+s11+$0x0], $0xffff  }
0x14c: {  	s30 =	sshllo.u32 s17, $0x3  }
0x14d: {  	v9 =	vmov s30  }
0x14e: {  	v10 =	vor.u32 v9, v10;
	_ =	sdelay $0x1  }
0x14f: {  	v11 =	vor.u32 v9, v11;
	v12 =	vadd.f32 v63, v62  }
0x150: {  	s31 =	sand.u32 $0x7, s19  }
0x151: {  	s23 =	simm.s32 $0x0;
	s22 =	sshll.u32 s31, $0x4;
	[tilespmem:s21+$0x300] =	vst v12  }
0x152: {  	s20 =	simm.s32 $0x10;
	s21 =	sadd.s32 $0x0, s22;
	s22 =	simm.s32 $0x4010;
	v10 =	vld.idx.msk [tilespmem:v10+s14+$0x0], $0xffff  }
.LBB2_13:
0x153: {  	s19 =	sadd.s32 $0x80, s19  }
0x154: {  	v11 =	vld.idx.msk [tilespmem:v11+s11+$0x0], $0xffff;
	s23 =	sadd.s32 $0x1, s23;
	s18 =	sadd.s32 $0x10, s18;
	s24 =	smov.u32 s20  }
0x155: {  	p0 =	sne.s32 s20, $0xFF0;
	s20 =	sadd.s32 $0x10, s20;
	s25 =	sand.u32 $0x7, s23  }
0x156: {  	s25 =	sshll.u32 s25, $0x4  }
0x157: {  	s25 =	sadd.s32 s25, s19;
	_ =	sdelay $0x2  }
0x158: {  	s26 =	sor.u32 $0x380, s21;
	s21 =	smov.u32 s25;
	v10 =	vadd.f32 v11, v10;
	_ =	sdelay $0x1  }
0x159: {  	[tilespmem:s26+$0x17800] =	vst v10  }
0x15a: {  	v10 =	vld [tilespmem:s22+$0x0]  }
0x15b: {  	v11 =	vld [tilespmem:s18+$0x0];
	_ =	sdelay $0x3  }
0x15c: {  	v12 =	vshll.u32 v10, $0x8;
	v10 =	vshll.u32 v10, $0x7  }
0x15d: {  	v13 =	vshll.u32 v11, $0x8;
	v11 =	vshll.u32 v11, $0x7;
	v12 =	vand.u32 $0xFFFFF800, v12  }
0x15e: {  	v10 =	vand.u32 $0x380, v10;
	v13 =	vand.u32 $0xFFFFF800, v13;
	v11 =	vand.u32 $0x380, v11  }
0x15f: {  	v10 =	vor.u32 v10, v12;
	v11 =	vor.u32 v11, v13  }
0x160: {  	v13 =	vor.u32 v2, v10;
	v12 =	vor.u32 v2, v11;
	_ =	sdelay $0x4  }
0x161: {  	v12 =	vld.idx.msk [tilespmem:v12+s14+$0x0], $0xffff  }
0x162: {  	v13 =	vld.idx.msk [tilespmem:v13+s11+$0x0], $0xffff;
	_ =	sdelay $0x3  }
0x163: {  	v14 =	vor.u32 v3, v11  }
0x164: {  	v15 =	vor.u32 v3, v10  }
0x165: {  	s24 =	sand.u32 $0x70, s24;
	s25 =	sand.u32 $0x7C00, s19;
	v12 =	vadd.f32 v13, v12  }
0x166: {  	s24 =	sor.u32 s24, s25  }
0x167: {  	[tilespmem:s24+$0x17800] =	vst v12  }
0x168: {  	v12 =	vld.idx.msk [tilespmem:v14+s14+$0x0], $0xffff  }
0x169: {  	v13 =	vld.idx.msk [tilespmem:v15+s11+$0x0], $0xffff;
	_ =	sdelay $0x3  }
0x16a: {  	v14 =	vor.u32 v4, v11  }
0x16b: {  	v15 =	vor.u32 v4, v10  }
0x16c: {  	v12 =	vadd.f32 v13, v12  }
0x16d: {  	s24 =	sadd.s32 $0x17800, s24  }
0x16e: {  	[tilespmem:s24+$0x80] =	vst v12  }
0x16f: {  	v12 =	vld.idx.msk [tilespmem:v14+s14+$0x0], $0xffff  }
0x170: {  	v13 =	vld.idx.msk [tilespmem:v15+s11+$0x0], $0xffff;
	_ =	sdelay $0x3  }
0x171: {  	v14 =	vor.u32 v5, v11  }
0x172: {  	v15 =	vor.u32 v5, v10  }
0x173: {  	v12 =	vadd.f32 v13, v12;
	_ =	sdelay $0x1  }
0x174: {  	[tilespmem:s24+$0x100] =	vst v12  }
0x175: {  	v12 =	vld.idx.msk [tilespmem:v14+s14+$0x0], $0xffff  }
0x176: {  	v13 =	vld.idx.msk [tilespmem:v15+s11+$0x0], $0xffff;
	_ =	sdelay $0x3  }
0x177: {  	v14 =	vor.u32 v6, v11  }
0x178: {  	v15 =	vor.u32 v6, v10  }
0x179: {  	v12 =	vadd.f32 v13, v12;
	_ =	sdelay $0x1  }
0x17a: {  	[tilespmem:s24+$0x180] =	vst v12  }
0x17b: {  	v12 =	vld.idx.msk [tilespmem:v14+s14+$0x0], $0xffff  }
0x17c: {  	v13 =	vld.idx.msk [tilespmem:v15+s11+$0x0], $0xffff;
	_ =	sdelay $0x3  }
0x17d: {  	v14 =	vor.u32 v7, v11  }
0x17e: {  	v15 =	vor.u32 v7, v10  }
0x17f: {  	v12 =	vadd.f32 v13, v12;
	_ =	sdelay $0x1  }
0x180: {  	[tilespmem:s24+$0x200] =	vst v12  }
0x181: {  	v12 =	vld.idx.msk [tilespmem:v14+s14+$0x0], $0xffff  }
0x182: {  	v13 =	vld.idx.msk [tilespmem:v15+s11+$0x0], $0xffff;
	_ =	sdelay $0x3  }
0x183: {  	v14 =	vor.u32 v8, v11  }
0x184: {  	v15 =	vor.u32 v8, v10  }
0x185: {  	v12 =	vadd.f32 v13, v12;
	_ =	sdelay $0x1  }
0x186: {  	[tilespmem:s24+$0x280] =	vst v12  }
0x187: {  	v12 =	vld.idx.msk [tilespmem:v14+s14+$0x0], $0xffff  }
0x188: {  	v13 =	vld.idx.msk [tilespmem:v15+s11+$0x0], $0xffff;
	_ =	sdelay $0x3  }
0x189: {  	v14 =	vor.u32 v9, v11;
	v11 =	vor.u32 v9, v10  }
.Ltmp5:
0x18a: {  	(pc) =	sbr.rel @p0 .LBB2_13-.Ltmp5, $3  }
0x18b: {  	v10 =	vadd.f32 v13, v12;
	_ =	sdelay $0x1  }
0x18c: {  	[tilespmem:s24+$0x300] =	vst v10  }
0x18d: {  	s22 =	sadd.s32 $0x10, s22;
	v10 =	vld.idx.msk [tilespmem:v14+s14+$0x0], $0xffff  }
0x18e: {  	_ =	sdelay $0x3  }
0x18f: {  	v2 =	vld.idx.msk [tilespmem:v11+s11+$0x0], $0xffff;
	_ =	sdelay $0x4  }
0x190: {  	s19 =	sshll.u32 s17, $0xC;
	s17 =	sadd.s32 $0x1, s17;
	v2 =	vadd.f32 v2, v10  }
0x191: {  	s18 =	sor.u32 $0x380, s21;
	p0 =	sne.s32 s17, $0x10  }
.Ltmp6:
0x192: {  	s31 =	sadd.s32 s19, s8;
	[tilespmem:s18+$0x17800] =	vst v2;
	(pc) =	sbr.rel @p0 .LBB2_12-.Ltmp6, $4  }
0x193: {  	[hbm4b:s31+s4] =	stream.linear.scatter [tilespmem:s15], [sflag:$0x1], $0x8000, $0x38;
	[tilespmem:$0x1F800] =	vst v63  }
0x194: {  	_ =	swait.ge [sflag:s10], $0x8000  }
0x195: {  	[sflag:s10] =	ssyncset.done $0x0  }
0x196: {  	[sflag:s10] =	ssyncadd.s32 $0xFFFF8000  }
0x197: {  	s16 =	sadd.s32 $0x1, s16  }
0x198: {  	p0 =	sne.s32 s16, s9  }
.Ltmp7:
0x199: {  	_ = 	snop;
	(pc) =	sbr.rel @p0 .LBB2_1-.Ltmp7, $1  }
0x19a: {  	_ =	sdelay $0x3  }
0x19b: {  	_ =	sfence.sel $0x180000  }
0x19c: {  	[bflag:$0x0] =	sbarrier.arrive $0xFFFF  }
0x19d: {  	p0 =	sne.s32 s3, $0x0;
	_ =	strace $0x90000047  }
0x19e: {  	s0 =	sadd.s32 @!p0 $0x100000, s0;
	[bflag:$0x2] =	sbarrier.arrive $0xFFFF  }
0x19f: {  	[sflag:s0] =	ssyncadd.tile.s32 @!p0 $0x1;
	_ =	shalt  }
.Lfunc_end2:
_tile_overlayer_lowered:
.L_overlay_start_2:
0x1a0: {  	(tag) =	ssettag $0x2  }
0x1a1: {  	s0 =	rddreg [dreg:$0x0];
	s2 =	stileid.u32  }
0x1a2: {  	s1 =	rddreg [dreg:$0x1];
	p0 =	sne.s32 s2, $0x0  }
0x1a3: {  	s3 =	rddreg [dreg:$0x2];
	[bflag:$0x3] =	sbarrier.arrive $0xFFFF;
	s2 =	simm.s32 @!p0 $0x1C01  }
0x1a4: {  	[timem:s3], [sflag:s2] =	dma.local @!p0 [hbm:s0], s1  }
0x1a5: {  	s0 =	simm.s32 @!p0 $0x1  }
0x1a6: {  	_ =	swait.ge @!p0 [sflag:s0], s1  }
0x1a7: {  	s1 =	ssub.s32 @!p0 $0x0, s1;
	[sflag:s0] =	ssyncset.done @!p0 $0x0  }
0x1a8: {  	[sflag:s0] =	ssyncadd.s32 @!p0 s1  }
0x1a9: {  	[bflag:$0x3] =	sbarrier.arrive $0xFFFF  }
0x1aa: {  	_ =	shalt  }

</sc_bundles>
